<compile_context>
chip_gen: v7x
topology: tpu7x:2x2x1
jax: 0.10.2.dev20260603
libtpu: 0.0.44.dev20260713+nightly
codegen_flags: <defaults>
</compile_context>

<pallas_src>
import functools

import jax
import jax.numpy as jnp
from jax import lax
from jax.experimental import pallas as pl
from jax.experimental.pallas import tpu as pltpu
from jax.experimental.pallas import tpu_sc as plsc

_N = 320000
_D = 128
_NQ = 4
_QD = _D // _NQ
_NSEG = 10000

_NCORES = 2
_NSUB = 16
_NPS = _N // _NSUB
_CH = 80
_NCH = _NPS // _CH
_SLAB = 200
_NSLAB = _NSEG // _SLAB

_BLK_A = 1280
_BLK_C = 2000


def _phase_a_body(x_ref, w_ref, wg_ref, bg_ref, wm_ref, bm_ref, p_ref,
                  zc_ref, u_ref):
    xb = x_ref[...]
    gate = jnp.dot(xb, wg_ref[...], preferred_element_type=jnp.float32)
    gate = gate + bg_ref[0, 0]
    pw = p_ref[0, 0]
    w = w_ref[...]
    pos = w ** pw
    neg = 1.0 / (w ** jnp.abs(pw) + 1e-10)
    u = jnp.where(pw > 0, pos, neg) * jnp.exp(gate)
    msg = jnp.dot(xb, wm_ref[...], preferred_element_type=jnp.float32)
    msg = msg + bm_ref[...]
    z = u * msg
    for q in range(_NQ):
        zc_ref[q] = z[:, q * _QD:(q + 1) * _QD]
    u_ref[...] = jnp.broadcast_to(u, (u.shape[0], 16))


def _phase_a(x, weights, W_gate, b_gate, W_msg, b_msg, p):
    return pl.pallas_call(
        _phase_a_body,
        grid=(_N // _BLK_A,),
        in_specs=[
            pl.BlockSpec((_BLK_A, _D), lambda i: (i, 0)),
            pl.BlockSpec((_BLK_A, 1), lambda i: (i, 0)),
            pl.BlockSpec((_D, 1), lambda i: (0, 0)),
            pl.BlockSpec((1, 1), lambda i: (0, 0)),
            pl.BlockSpec((_D, _D), lambda i: (0, 0)),
            pl.BlockSpec((1, _D), lambda i: (0, 0)),
            pl.BlockSpec((1, 1), lambda i: (0, 0)),
        ],
        out_specs=[
            pl.BlockSpec((_NQ, _BLK_A, _QD), lambda i: (0, i, 0)),
            pl.BlockSpec((_BLK_A, 16), lambda i: (i, 0)),
        ],
        out_shape=[
            jax.ShapeDtypeStruct((_NQ, _N, _QD), jnp.float32),
            jax.ShapeDtypeStruct((_N, 16), jnp.float32),
        ],
    )(x, weights, W_gate, b_gate.reshape(1, 1), W_msg,
      b_msg.reshape(1, _D), p.reshape(1, 1))


def _zero_fill(ref, rows, cols):
    zv = jnp.zeros((16,), jnp.float32)
    per_row = cols // 16

    def body(i, carry):
        r = i // per_row
        c16 = (i % per_row) * 16
        ref[r, pl.ds(c16, 16)] = zv
        return carry

    lax.fori_loop(0, rows * per_row, body, 0)


def _phase_b1_body(zc_hbm, idx_hbm, outz_hbm, idx_c0, idx_c1, z_v0, z_v1,
                   zstage, accz, sem0i, sem0z, sem1i, sem1z):
    c = lax.axis_index("c")
    s = lax.axis_index("s")

    _zero_fill(zstage, _SLAB, _QD)

    for q in range(2):
        qi = c * 2 + q

        for k in range((_NSLAB + _NSUB - 1) // _NSUB):
            m = s + k * _NSUB

            @pl.when(m < _NSLAB)
            def _():
                pltpu.sync_copy(zstage, accz.at[pl.ds(m * _SLAB, _SLAB)])

        plsc.subcore_barrier()

        pltpu.sync_copy(idx_hbm.at[pl.ds(s * _NPS, _CH)], idx_c0)
        pltpu.sync_copy(zc_hbm.at[qi, pl.ds(s * _NPS, _CH)], z_v0)

        def chunk2(i, carry):
            base1 = s * _NPS + (2 * i + 1) * _CH
            base2 = s * _NPS + jnp.minimum(2 * i + 2, _NCH - 1) * _CH
            h1i = pltpu.async_copy(idx_hbm.at[pl.ds(base1, _CH)], idx_c1, sem1i)
            h1z = pltpu.async_copy(zc_hbm.at[qi, pl.ds(base1, _CH)], z_v1, sem1z)
            pltpu.sync_copy(z_v0, accz.at[idx_c0], add=True)
            h1i.wait()
            h1z.wait()
            h2i = pltpu.async_copy(idx_hbm.at[pl.ds(base2, _CH)], idx_c0, sem0i)
            h2z = pltpu.async_copy(zc_hbm.at[qi, pl.ds(base2, _CH)], z_v0, sem0z)
            pltpu.sync_copy(z_v1, accz.at[idx_c1], add=True)
            h2i.wait()
            h2z.wait()
            return carry

        lax.fori_loop(0, _NCH // 2, chunk2, 0)
        plsc.subcore_barrier()

        for k in range((_NSLAB + _NSUB - 1) // _NSUB):
            m = s + k * _NSUB

            @pl.when(m < _NSLAB)
            def _():
                r0 = m * _SLAB
                pltpu.sync_copy(accz.at[pl.ds(r0, _SLAB)],
                                outz_hbm.at[qi, pl.ds(r0, _SLAB)])

        plsc.subcore_barrier()


_phase_b1 = functools.partial(
    pl.kernel,
    out_type=jax.ShapeDtypeStruct((_NQ, _NSEG, _QD), jnp.float32),
    mesh=plsc.VectorSubcoreMesh(core_axis_name="c", subcore_axis_name="s"),
    scratch_types=[
        pltpu.VMEM((_CH,), jnp.int32),
        pltpu.VMEM((_CH,), jnp.int32),
        pltpu.VMEM((_CH, _QD), jnp.float32),
        pltpu.VMEM((_CH, _QD), jnp.float32),
        pltpu.VMEM((_SLAB, _QD), jnp.float32),
        pltpu.VMEM_SHARED((_NSEG, _QD), jnp.float32),
        pltpu.SemaphoreType.DMA,
        pltpu.SemaphoreType.DMA,
        pltpu.SemaphoreType.DMA,
        pltpu.SemaphoreType.DMA,
    ],
)(_phase_b1_body)


_NPT = _N // (_NCORES * _NSUB)
_NCH2 = _NPT // _CH


def _phase_b2_body(u_hbm, idx_hbm, outu_hbm, idx_c0, idx_c1, u_v0, u_v1,
                   ustage, accu, sem0i, sem0u, sem1i, sem1u):
    c = lax.axis_index("c")
    s = lax.axis_index("s")
    wid = s * _NCORES + c

    _zero_fill(ustage, _SLAB, 16)

    for k in range((_NSLAB + _NSUB - 1) // _NSUB):
        m = s + k * _NSUB

        @pl.when(m < _NSLAB)
        def _():
            pltpu.sync_copy(ustage, accu.at[pl.ds(m * _SLAB, _SLAB)])

    plsc.subcore_barrier()

    pltpu.sync_copy(idx_hbm.at[pl.ds(wid * _NPT, _CH)], idx_c0)
    pltpu.sync_copy(u_hbm.at[pl.ds(wid * _NPT, _CH)], u_v0)

    def chunk2(i, carry):
        base1 = wid * _NPT + (2 * i + 1) * _CH
        base2 = wid * _NPT + jnp.minimum(2 * i + 2, _NCH2 - 1) * _CH
        h1i = pltpu.async_copy(idx_hbm.at[pl.ds(base1, _CH)], idx_c1, sem1i)
        h1u = pltpu.async_copy(u_hbm.at[pl.ds(base1, _CH)], u_v1, sem1u)
        pltpu.sync_copy(u_v0, accu.at[idx_c0], add=True)
        h1i.wait()
        h1u.wait()
        h2i = pltpu.async_copy(idx_hbm.at[pl.ds(base2, _CH)], idx_c0, sem0i)
        h2u = pltpu.async_copy(u_hbm.at[pl.ds(base2, _CH)], u_v0, sem0u)
        pltpu.sync_copy(u_v1, accu.at[idx_c1], add=True)
        h2i.wait()
        h2u.wait()
        return carry

    lax.fori_loop(0, _NCH2 // 2, chunk2, 0)
    last = wid * _NPT + (_NCH2 - 1) * _CH
    pltpu.sync_copy(idx_hbm.at[pl.ds(last, _CH)], idx_c0)
    pltpu.sync_copy(u_hbm.at[pl.ds(last, _CH)], u_v0)
    pltpu.sync_copy(u_v0, accu.at[idx_c0], add=True)
    plsc.subcore_barrier()

    for k in range((_NSLAB + _NSUB - 1) // _NSUB):
        m = s + k * _NSUB

        @pl.when(m < _NSLAB)
        def _():
            r0 = m * _SLAB
            pltpu.sync_copy(accu.at[pl.ds(r0, _SLAB)],
                            outu_hbm.at[c, pl.ds(r0, _SLAB)])


_phase_b2 = functools.partial(
    pl.kernel,
    out_type=jax.ShapeDtypeStruct((_NCORES, _NSEG, 16), jnp.float32),
    mesh=plsc.VectorSubcoreMesh(core_axis_name="c", subcore_axis_name="s"),
    scratch_types=[
        pltpu.VMEM((_CH,), jnp.int32),
        pltpu.VMEM((_CH,), jnp.int32),
        pltpu.VMEM((_CH, 16), jnp.float32),
        pltpu.VMEM((_CH, 16), jnp.float32),
        pltpu.VMEM((_SLAB, 16), jnp.float32),
        pltpu.VMEM_SHARED((_NSEG, 16), jnp.float32),
        pltpu.SemaphoreType.DMA,
        pltpu.SemaphoreType.DMA,
        pltpu.SemaphoreType.DMA,
        pltpu.SemaphoreType.DMA,
    ],
)(_phase_b2_body)


def _phase_c_body(zp_ref, up_ref, o_ref):
    den = up_ref[0, :, 0:1] + up_ref[1, :, 0:1] + 1e-10
    o_ref[...] = jnp.concatenate(
        [zp_ref[q] for q in range(_NQ)], axis=1) / den


def _phase_c(zp, up):
    return pl.pallas_call(
        _phase_c_body,
        grid=(_NSEG // _BLK_C,),
        in_specs=[
            pl.BlockSpec((_NQ, _BLK_C, _QD), lambda i: (0, i, 0)),
            pl.BlockSpec((_NCORES, _BLK_C, 16), lambda i: (0, i, 0)),
        ],
        out_specs=pl.BlockSpec((_BLK_C, _D), lambda i: (i, 0)),
        out_shape=jax.ShapeDtypeStruct((_NSEG, _D), jnp.float32),
    )(zp, up)


def kernel(x, weights, W_gate, b_gate, W_msg, b_msg, p, index):
    zc, u16 = _phase_a(x, weights, W_gate, b_gate, W_msg, b_msg, p)
    zp = _phase_b1(zc, index)
    up = _phase_b2(u16, index)
    return _phase_c(zp, up)

# --- scband reference (transcript-rebuilt; emitter-appended) ---
"""Pipeline reference for scband-weighted-attention-pooling-6141803233553 (READ-ONLY COPY).

The authoritative reference and input builder live on the scoring server;
editing this copy changes nothing except your own understanding.
"""

import jax, jax.numpy as jnp
import numpy as np

N = 320000
D = 128
NSEG = 10000


def setup_inputs(seed: int = 0) -> dict:
    key = jax.random.key(seed)
    k1, k2, k3, k4, k5, k6 = jax.random.split(key, 6)
    x = jax.random.normal(k1, (N, D), dtype=jnp.float32)
    index = jnp.sort(jax.random.randint(k2, (N,), 0, NSEG)).astype(jnp.int32)
    # weights strictly positive (node weights, e.g. stoichiometric fractions)
    weights = jax.random.uniform(k3, (N, 1), minval=1e-3, maxval=1.0, dtype=jnp.float32)
    W_gate = jax.random.normal(k4, (D, 1), dtype=jnp.float32) * (1.0 / np.sqrt(D))
    b_gate = jnp.zeros((1,), dtype=jnp.float32)
    W_msg = jax.random.normal(k5, (D, D), dtype=jnp.float32) * (1.0 / np.sqrt(D))
    b_msg = jnp.zeros((D,), dtype=jnp.float32)
    p = jax.random.normal(k6, (1,), dtype=jnp.float32)
    return {"x": x, "weights": weights, "W_gate": W_gate, "b_gate": b_gate,
            "W_msg": W_msg, "b_msg": b_msg, "p": p, "index": index}


def reference(x, weights, W_gate, b_gate, W_msg, b_msg, p, index):
    # gate_nn: Linear(D, 1)
    gate = x @ W_gate + b_gate                                   # [N, 1]
    # numerically-stable softmax per segment: subtract segment max
    gmax = jax.ops.segment_max(gate, index, num_segments=NSEG)   # [NSEG, 1]
    gate = gate - gmax[index]
    pw = p[0]
    pos = (weights ** pw) * jnp.exp(gate)
    neg = (1.0 / (weights ** jnp.abs(pw) + 1e-10)) * jnp.exp(gate)
    gate = jnp.where(pw > 0, pos, neg)                           # [N, 1]
    denom = jax.ops.segment_sum(gate, index, num_segments=NSEG)  # [NSEG, 1]
    gate = gate / (denom[index] + 1e-10)
    # message_nn: Linear(D, D)
    msg = x @ W_msg + b_msg                                      # [N, D]
    out = jax.ops.segment_sum(gate * msg, index, num_segments=NSEG)  # [NSEG, D]
    return out

if __name__ == "__main__":
    import jax
    _d = setup_inputs()
    print(jax.jit(kernel)(*tuple(_d.values())))

</pallas_src>

<mosaic_0001>
#map = affine_map<(d0, d1) -> (0, 0)>
#map1 = affine_map<(d0, d1) -> (0)>
#map2 = affine_map<(d0, d1) -> (0, 0, 0)>
module attributes {stable_mosaic.version = 14 : i64} {
  func.func @_phase_b2_body(%arg0: i32, %arg1: i32, %arg2: memref<320000x16xf32, #tpu.memory_space<hbm>>, %arg3: memref<320000xi32, #tpu.memory_space<hbm>>, %arg4: memref<2x10000x16xf32, #tpu.memory_space<hbm>>, %arg5: memref<80xi32, #tpu.memory_space<vmem>>, %arg6: memref<80xi32, #tpu.memory_space<vmem>>, %arg7: memref<80x16xf32, #tpu.memory_space<vmem>>, %arg8: memref<80x16xf32, #tpu.memory_space<vmem>>, %arg9: memref<200x16xf32, #tpu.memory_space<vmem>>, %arg10: memref<10000x16xf32, #tpu.memory_space<vmem_shared>>, %arg11: memref<!tpu.dma_semaphore, #tpu.memory_space<semaphore_mem>>, %arg12: memref<!tpu.dma_semaphore, #tpu.memory_space<semaphore_mem>>, %arg13: memref<!tpu.dma_semaphore, #tpu.memory_space<semaphore_mem>>, %arg14: memref<!tpu.dma_semaphore, #tpu.memory_space<semaphore_mem>>) attributes {dimension_semantics = [#tpu.dimension_semantics<core_parallel>, #tpu.dimension_semantics<subcore_parallel>], iteration_bounds = array<i64: 2, 16>, scalar_prefetch = 0 : i64, scratch_operands = 10 : i64, tpu.core_type = #tpu.core_type<sc_vector_subcore>, window_params = [{transform_indices = #map}, {transform_indices = #map1}, {transform_indices = #map2}]} {
    %mul3A = arith.constant 2 : i32
    %mul3A_0 = arith.muli %arg1, %mul3A : i32
    %add3A = arith.addi %mul3A_0, %arg0 : i32
    %broadcast_in_dim3A = arith.constant 0.000000e+00 : f32
    %broadcast_in_dim3A_1 = vector.broadcast %broadcast_in_dim3A : f32 to vector<16xf32>
    %scan3A = arith.constant 0 : i32
    %scan3A_2 = arith.constant 0 : i32
    %scan3A_3 = arith.constant 200 : i32
    %scan3A_4 = arith.addi %scan3A_2, %scan3A_3 : i32
    %scan3A_5 = arith.constant 1 : i32
    scf.for %scan3A_75 = %scan3A_2 to %scan3A_4 step %scan3A_5  : i32 {
      %jit3A = arith.constant 1 : i32
      %div3A = arith.divsi %scan3A_75, %jit3A : i32
      %sign3A = arith.constant 0 : i32
      %sign3A_76 = arith.cmpi sgt, %scan3A_75, %sign3A : i32
      %sign3A_77 = arith.extui %sign3A_76 : i1 to i32
      %sign3A_78 = arith.constant 0 : i32
      %sign3A_79 = arith.cmpi slt, %scan3A_75, %sign3A_78 : i32
      %sign3A_80 = arith.extui %sign3A_79 : i1 to i32
      %sign3A_81 = arith.subi %sign3A_77, %sign3A_80 : i32
      %sign3A_82 = arith.constant 0 : i32
      %sign3A_83 = arith.cmpi sgt, %jit3A, %sign3A_82 : i32
      %sign3A_84 = arith.extui %sign3A_83 : i1 to i32
      %sign3A_85 = arith.constant 0 : i32
      %sign3A_86 = arith.cmpi slt, %jit3A, %sign3A_85 : i32
      %sign3A_87 = arith.extui %sign3A_86 : i1 to i32
      %sign3A_88 = arith.subi %sign3A_84, %sign3A_87 : i32
      %ne3A = arith.cmpi ne, %sign3A_81, %sign3A_88 : i32
      %rem3A = arith.remsi %scan3A_75, %jit3A : i32
      %ne3A_89 = arith.constant 0 : i32
      %ne3A_90 = arith.cmpi ne, %rem3A, %ne3A_89 : i32
      %and3A = arith.andi %ne3A, %ne3A_90 : i1
      %sub3A = arith.constant 1 : i32
      %sub3A_91 = arith.subi %div3A, %sub3A : i32
      %select_n3A = arith.select %and3A, %sub3A_91, %div3A : i32
      %jit3A_92 = arith.constant 1 : i32
      %eq3A = arith.constant 0 : i32
      %eq3A_93 = arith.cmpi eq, %jit3A_92, %eq3A : i32
      %jit3A_94 = arith.constant 1 : i32
      %select_n3A_95 = arith.select %eq3A_93, %jit3A_94, %jit3A_92 : i32
      %rem3A_96 = arith.remsi %scan3A_75, %select_n3A_95 : i32
      %ne3A_97 = arith.constant 0 : i32
      %ne3A_98 = arith.cmpi ne, %rem3A_96, %ne3A_97 : i32
      %lt3A_99 = arith.constant 0 : i32
      %lt3A_100 = arith.cmpi slt, %rem3A_96, %lt3A_99 : i32
      %lt3A_101 = arith.constant 0 : i32
      %lt3A_102 = arith.cmpi slt, %select_n3A_95, %lt3A_101 : i32
      %ne3A_103 = arith.xori %lt3A_100, %lt3A_102 : i1
      %and3A_104 = arith.andi %ne3A_103, %ne3A_98 : i1
      %add3A_105 = arith.addi %rem3A_96, %select_n3A_95 : i32
      %select_n3A_106 = arith.select %and3A_104, %add3A_105, %rem3A_96 : i32
      %mul3A_107 = arith.constant 16 : i32
      %mul3A_108 = arith.muli %select_n3A_106, %mul3A_107 : i32
      %swap3A = arith.index_cast %select_n3A : i32 to index
      %swap3A_109 = arith.index_cast %mul3A_108 : i32 to index
      %swap3A_110 = tpu.vector_load %arg9[%swap3A, %swap3A_109] {strides = array<i32>} : memref<200x16xf32, #tpu.memory_space<vmem>>, vector<1x16xf32>,
      %swap3A_111 = vector.shape_cast %swap3A_110 : vector<1x16xf32> to vector<16xf32>
      %swap3A_112 = vector.shape_cast %broadcast_in_dim3A_1 : vector<16xf32> to vector<1x16xf32>
      tpu.vector_store %arg9[%swap3A, %swap3A_109], %swap3A_112 {strides = array<i32>} : memref<200x16xf32, #tpu.memory_space<vmem>>, vector<1x16xf32>,
    }
    %scan3A_6 = arith.constant 200 : i32
    %add3A_7 = arith.constant 0 : i32
    %add3A_8 = arith.addi %arg1, %add3A_7 : i32
    %lt3A = arith.constant 50 : i32
    %lt3A_9 = arith.cmpi slt, %add3A_8, %lt3A : i32
    %convert_element_type3A = arith.extui %lt3A_9 : i1 to i32
    %cond3A = arith.constant 0 : i32
    %cond3A_10 = arith.cmpi ne, %convert_element_type3A, %cond3A : i32
    scf.if %cond3A_10 {
      %mul3A_75 = arith.constant 200 : i32
      %mul3A_76 = arith.muli %add3A_8, %mul3A_75 : i32
      "tpu.region"() ({
        %run_scoped3A = tpu.sem_alloc : memref<!tpu.dma_semaphore, #tpu.memory_space<semaphore_mem>>
        %dma_start3A = arith.constant 0 : i32
        %dma_start3A_77 = tpu.memref_slice %arg10[%mul3A_76, %dma_start3A] : memref<10000x16xf32, #tpu.memory_space<vmem_shared>> -> memref<200x16xf32, #tpu.memory_space<vmem_shared>>
        %dma_start3A_78 = arith.constant 0 : i32
        %dma_start3A_79 = tpu.memref_slice %arg10[%mul3A_76, %dma_start3A_78] : memref<10000x16xf32, #tpu.memory_space<vmem_shared>> -> memref<200x16xf32, #tpu.memory_space<vmem_shared>>
        tpu.enqueue_dma source(%arg9 : memref<200x16xf32, #tpu.memory_space<vmem>>) target(%dma_start3A_79 : memref<200x16xf32, #tpu.memory_space<vmem_shared>>) target_semaphore(%run_scoped3A : memref<!tpu.dma_semaphore, #tpu.memory_space<semaphore_mem>>)
        %dma_wait3A = arith.constant 0 : i32
        %dma_wait3A_80 = tpu.memref_slice %arg10[%mul3A_76, %dma_wait3A] : memref<10000x16xf32, #tpu.memory_space<vmem_shared>> -> memref<200x16xf32, #tpu.memory_space<vmem_shared>>
        %dma_wait3A_81 = arith.constant 0 : i32
        %dma_wait3A_82 = tpu.memref_slice %arg10[%mul3A_76, %dma_wait3A_81] : memref<10000x16xf32, #tpu.memory_space<vmem_shared>> -> memref<200x16xf32, #tpu.memory_space<vmem_shared>>
        tpu.wait_dma2 semaphore(%run_scoped3A : memref<!tpu.dma_semaphore, #tpu.memory_space<semaphore_mem>>) src(%arg9 : memref<200x16xf32, #tpu.memory_space<vmem>>) dst(%dma_wait3A_82 : memref<200x16xf32, #tpu.memory_space<vmem_shared>>)
        tpu.yield
      }) : () -> ()
    } else {
    }
    %add3A_11 = arith.constant 16 : i32
    %add3A_12 = arith.addi %arg1, %add3A_11 : i32
    %lt3A_13 = arith.constant 50 : i32
    %lt3A_14 = arith.cmpi slt, %add3A_12, %lt3A_13 : i32
    %convert_element_type3A_15 = arith.extui %lt3A_14 : i1 to i32
    %cond3A_16 = arith.constant 0 : i32
    %cond3A_17 = arith.cmpi ne, %convert_element_type3A_15, %cond3A_16 : i32
    scf.if %cond3A_17 {
      %mul3A_75 = arith.constant 200 : i32
      %mul3A_76 = arith.muli %add3A_12, %mul3A_75 : i32
      "tpu.region"() ({
        %run_scoped3A = tpu.sem_alloc : memref<!tpu.dma_semaphore, #tpu.memory_space<semaphore_mem>>
        %dma_start3A = arith.constant 0 : i32
        %dma_start3A_77 = tpu.memref_slice %arg10[%mul3A_76, %dma_start3A] : memref<10000x16xf32, #tpu.memory_space<vmem_shared>> -> memref<200x16xf32, #tpu.memory_space<vmem_shared>>
        %dma_start3A_78 = arith.constant 0 : i32
        %dma_start3A_79 = tpu.memref_slice %arg10[%mul3A_76, %dma_start3A_78] : memref<10000x16xf32, #tpu.memory_space<vmem_shared>> -> memref<200x16xf32, #tpu.memory_space<vmem_shared>>
        tpu.enqueue_dma source(%arg9 : memref<200x16xf32, #tpu.memory_space<vmem>>) target(%dma_start3A_79 : memref<200x16xf32, #tpu.memory_space<vmem_shared>>) target_semaphore(%run_scoped3A : memref<!tpu.dma_semaphore, #tpu.memory_space<semaphore_mem>>)
        %dma_wait3A = arith.constant 0 : i32
        %dma_wait3A_80 = tpu.memref_slice %arg10[%mul3A_76, %dma_wait3A] : memref<10000x16xf32, #tpu.memory_space<vmem_shared>> -> memref<200x16xf32, #tpu.memory_space<vmem_shared>>
        %dma_wait3A_81 = arith.constant 0 : i32
        %dma_wait3A_82 = tpu.memref_slice %arg10[%mul3A_76, %dma_wait3A_81] : memref<10000x16xf32, #tpu.memory_space<vmem_shared>> -> memref<200x16xf32, #tpu.memory_space<vmem_shared>>
        tpu.wait_dma2 semaphore(%run_scoped3A : memref<!tpu.dma_semaphore, #tpu.memory_space<semaphore_mem>>) src(%arg9 : memref<200x16xf32, #tpu.memory_space<vmem>>) dst(%dma_wait3A_82 : memref<200x16xf32, #tpu.memory_space<vmem_shared>>)
        tpu.yield
      }) : () -> ()
    } else {
    }
    %add3A_18 = arith.constant 32 : i32
    %add3A_19 = arith.addi %arg1, %add3A_18 : i32
    %lt3A_20 = arith.constant 50 : i32
    %lt3A_21 = arith.cmpi slt, %add3A_19, %lt3A_20 : i32
    %convert_element_type3A_22 = arith.extui %lt3A_21 : i1 to i32
    %cond3A_23 = arith.constant 0 : i32
    %cond3A_24 = arith.cmpi ne, %convert_element_type3A_22, %cond3A_23 : i32
    scf.if %cond3A_24 {
      %mul3A_75 = arith.constant 200 : i32
      %mul3A_76 = arith.muli %add3A_19, %mul3A_75 : i32
      "tpu.region"() ({
        %run_scoped3A = tpu.sem_alloc : memref<!tpu.dma_semaphore, #tpu.memory_space<semaphore_mem>>
        %dma_start3A = arith.constant 0 : i32
        %dma_start3A_77 = tpu.memref_slice %arg10[%mul3A_76, %dma_start3A] : memref<10000x16xf32, #tpu.memory_space<vmem_shared>> -> memref<200x16xf32, #tpu.memory_space<vmem_shared>>
        %dma_start3A_78 = arith.constant 0 : i32
        %dma_start3A_79 = tpu.memref_slice %arg10[%mul3A_76, %dma_start3A_78] : memref<10000x16xf32, #tpu.memory_space<vmem_shared>> -> memref<200x16xf32, #tpu.memory_space<vmem_shared>>
        tpu.enqueue_dma source(%arg9 : memref<200x16xf32, #tpu.memory_space<vmem>>) target(%dma_start3A_79 : memref<200x16xf32, #tpu.memory_space<vmem_shared>>) target_semaphore(%run_scoped3A : memref<!tpu.dma_semaphore, #tpu.memory_space<semaphore_mem>>)
        %dma_wait3A = arith.constant 0 : i32
        %dma_wait3A_80 = tpu.memref_slice %arg10[%mul3A_76, %dma_wait3A] : memref<10000x16xf32, #tpu.memory_space<vmem_shared>> -> memref<200x16xf32, #tpu.memory_space<vmem_shared>>
        %dma_wait3A_81 = arith.constant 0 : i32
        %dma_wait3A_82 = tpu.memref_slice %arg10[%mul3A_76, %dma_wait3A_81] : memref<10000x16xf32, #tpu.memory_space<vmem_shared>> -> memref<200x16xf32, #tpu.memory_space<vmem_shared>>
        tpu.wait_dma2 semaphore(%run_scoped3A : memref<!tpu.dma_semaphore, #tpu.memory_space<semaphore_mem>>) src(%arg9 : memref<200x16xf32, #tpu.memory_space<vmem>>) dst(%dma_wait3A_82 : memref<200x16xf32, #tpu.memory_space<vmem_shared>>)
        tpu.yield
      }) : () -> ()
    } else {
    }
    %add3A_25 = arith.constant 48 : i32
    %add3A_26 = arith.addi %arg1, %add3A_25 : i32
    %lt3A_27 = arith.constant 50 : i32
    %lt3A_28 = arith.cmpi slt, %add3A_26, %lt3A_27 : i32
    %convert_element_type3A_29 = arith.extui %lt3A_28 : i1 to i32
    %cond3A_30 = arith.constant 0 : i32
    %cond3A_31 = arith.cmpi ne, %convert_element_type3A_29, %cond3A_30 : i32
    scf.if %cond3A_31 {
      %mul3A_75 = arith.constant 200 : i32
      %mul3A_76 = arith.muli %add3A_26, %mul3A_75 : i32
      "tpu.region"() ({
        %run_scoped3A = tpu.sem_alloc : memref<!tpu.dma_semaphore, #tpu.memory_space<semaphore_mem>>
        %dma_start3A = arith.constant 0 : i32
        %dma_start3A_77 = tpu.memref_slice %arg10[%mul3A_76, %dma_start3A] : memref<10000x16xf32, #tpu.memory_space<vmem_shared>> -> memref<200x16xf32, #tpu.memory_space<vmem_shared>>
        %dma_start3A_78 = arith.constant 0 : i32
        %dma_start3A_79 = tpu.memref_slice %arg10[%mul3A_76, %dma_start3A_78] : memref<10000x16xf32, #tpu.memory_space<vmem_shared>> -> memref<200x16xf32, #tpu.memory_space<vmem_shared>>
        tpu.enqueue_dma source(%arg9 : memref<200x16xf32, #tpu.memory_space<vmem>>) target(%dma_start3A_79 : memref<200x16xf32, #tpu.memory_space<vmem_shared>>) target_semaphore(%run_scoped3A : memref<!tpu.dma_semaphore, #tpu.memory_space<semaphore_mem>>)
        %dma_wait3A = arith.constant 0 : i32
        %dma_wait3A_80 = tpu.memref_slice %arg10[%mul3A_76, %dma_wait3A] : memref<10000x16xf32, #tpu.memory_space<vmem_shared>> -> memref<200x16xf32, #tpu.memory_space<vmem_shared>>
        %dma_wait3A_81 = arith.constant 0 : i32
        %dma_wait3A_82 = tpu.memref_slice %arg10[%mul3A_76, %dma_wait3A_81] : memref<10000x16xf32, #tpu.memory_space<vmem_shared>> -> memref<200x16xf32, #tpu.memory_space<vmem_shared>>
        tpu.wait_dma2 semaphore(%run_scoped3A : memref<!tpu.dma_semaphore, #tpu.memory_space<semaphore_mem>>) src(%arg9 : memref<200x16xf32, #tpu.memory_space<vmem>>) dst(%dma_wait3A_82 : memref<200x16xf32, #tpu.memory_space<vmem_shared>>)
        tpu.yield
      }) : () -> ()
    } else {
    }
    %barrier3A = arith.constant 0 : index
    tpu.barrier barrier_id(%barrier3A)
    %mul3A_32 = arith.constant 10000 : i32
    %mul3A_33 = arith.muli %add3A, %mul3A_32 : i32
    "tpu.region"() ({
      %run_scoped3A = tpu.sem_alloc : memref<!tpu.dma_semaphore, #tpu.memory_space<semaphore_mem>>
      %dma_start3A = tpu.memref_slice %arg3[%mul3A_33] : memref<320000xi32, #tpu.memory_space<hbm>> -> memref<80xi32, #tpu.memory_space<hbm>>
      %dma_start3A_75 = tpu.memref_slice %arg3[%mul3A_33] : memref<320000xi32, #tpu.memory_space<hbm>> -> memref<80xi32, #tpu.memory_space<hbm>>
      tpu.enqueue_dma source(%dma_start3A_75 : memref<80xi32, #tpu.memory_space<hbm>>) target(%arg5 : memref<80xi32, #tpu.memory_space<vmem>>) target_semaphore(%run_scoped3A : memref<!tpu.dma_semaphore, #tpu.memory_space<semaphore_mem>>)
      %dma_wait3A = tpu.memref_slice %arg3[%mul3A_33] : memref<320000xi32, #tpu.memory_space<hbm>> -> memref<80xi32, #tpu.memory_space<hbm>>
      %dma_wait3A_76 = tpu.memref_slice %arg3[%mul3A_33] : memref<320000xi32, #tpu.memory_space<hbm>> -> memref<80xi32, #tpu.memory_space<hbm>>
      tpu.wait_dma2 semaphore(%run_scoped3A : memref<!tpu.dma_semaphore, #tpu.memory_space<semaphore_mem>>) src(%dma_wait3A_76 : memref<80xi32, #tpu.memory_space<hbm>>) dst(%arg5 : memref<80xi32, #tpu.memory_space<vmem>>)
      tpu.yield
    }) : () -> ()
    %mul3A_34 = arith.constant 10000 : i32
    %mul3A_35 = arith.muli %add3A, %mul3A_34 : i32
    "tpu.region"() ({
      %run_scoped3A = tpu.sem_alloc : memref<!tpu.dma_semaphore, #tpu.memory_space<semaphore_mem>>
      %dma_start3A = arith.constant 0 : i32
      %dma_start3A_75 = tpu.memref_slice %arg2[%mul3A_35, %dma_start3A] : memref<320000x16xf32, #tpu.memory_space<hbm>> -> memref<80x16xf32, #tpu.memory_space<hbm>>
      %dma_start3A_76 = arith.constant 0 : i32
      %dma_start3A_77 = tpu.memref_slice %arg2[%mul3A_35, %dma_start3A_76] : memref<320000x16xf32, #tpu.memory_space<hbm>> -> memref<80x16xf32, #tpu.memory_space<hbm>>
      tpu.enqueue_dma source(%dma_start3A_77 : memref<80x16xf32, #tpu.memory_space<hbm>>) target(%arg7 : memref<80x16xf32, #tpu.memory_space<vmem>>) target_semaphore(%run_scoped3A : memref<!tpu.dma_semaphore, #tpu.memory_space<semaphore_mem>>)
      %dma_wait3A = arith.constant 0 : i32
      %dma_wait3A_78 = tpu.memref_slice %arg2[%mul3A_35, %dma_wait3A] : memref<320000x16xf32, #tpu.memory_space<hbm>> -> memref<80x16xf32, #tpu.memory_space<hbm>>
      %dma_wait3A_79 = arith.constant 0 : i32
      %dma_wait3A_80 = tpu.memref_slice %arg2[%mul3A_35, %dma_wait3A_79] : memref<320000x16xf32, #tpu.memory_space<hbm>> -> memref<80x16xf32, #tpu.memory_space<hbm>>
      tpu.wait_dma2 semaphore(%run_scoped3A : memref<!tpu.dma_semaphore, #tpu.memory_space<semaphore_mem>>) src(%dma_wait3A_80 : memref<80x16xf32, #tpu.memory_space<hbm>>) dst(%arg7 : memref<80x16xf32, #tpu.memory_space<vmem>>)
      tpu.yield
    }) : () -> ()
    %scan3A_36 = arith.constant 0 : i32
    %scan3A_37 = arith.constant 0 : i32
    %scan3A_38 = arith.constant 62 : i32
    %scan3A_39 = arith.addi %scan3A_37, %scan3A_38 : i32
    %scan3A_40 = arith.constant 1 : i32
    scf.for %scan3A_75 = %scan3A_37 to %scan3A_39 step %scan3A_40  : i32 {
      %mul3A_76 = arith.constant 10000 : i32
      %mul3A_77 = arith.muli %add3A, %mul3A_76 : i32
      %mul3A_78 = arith.constant 2 : i32
      %mul3A_79 = arith.muli %mul3A_78, %scan3A_75 : i32
      %add3A_80 = arith.constant 1 : i32
      %add3A_81 = arith.addi %mul3A_79, %add3A_80 : i32
      %mul3A_82 = arith.constant 80 : i32
      %mul3A_83 = arith.muli %add3A_81, %mul3A_82 : i32
      %add3A_84 = arith.addi %mul3A_77, %mul3A_83 : i32
      %mul3A_85 = arith.constant 10000 : i32
      %mul3A_86 = arith.muli %add3A, %mul3A_85 : i32
      %mul3A_87 = arith.constant 2 : i32
      %mul3A_88 = arith.muli %mul3A_87, %scan3A_75 : i32
      %add3A_89 = arith.constant 2 : i32
      %add3A_90 = arith.addi %mul3A_88, %add3A_89 : i32
      %min3A = arith.constant 124 : i32
      %min3A_91 = arith.minsi %add3A_90, %min3A : i32
      %mul3A_92 = arith.constant 80 : i32
      %mul3A_93 = arith.muli %min3A_91, %mul3A_92 : i32
      %add3A_94 = arith.addi %mul3A_86, %mul3A_93 : i32
      %dma_start3A = tpu.memref_slice %arg3[%add3A_84] : memref<320000xi32, #tpu.memory_space<hbm>> -> memref<80xi32, #tpu.memory_space<hbm>>
      %dma_start3A_95 = tpu.memref_slice %arg3[%add3A_84] : memref<320000xi32, #tpu.memory_space<hbm>> -> memref<80xi32, #tpu.memory_space<hbm>>
      tpu.enqueue_dma source(%dma_start3A_95 : memref<80xi32, #tpu.memory_space<hbm>>) target(%arg6 : memref<80xi32, #tpu.memory_space<vmem>>) target_semaphore(%arg13 : memref<!tpu.dma_semaphore, #tpu.memory_space<semaphore_mem>>)
      %dma_start3A_96 = arith.constant 0 : i32
      %dma_start3A_97 = tpu.memref_slice %arg2[%add3A_84, %dma_start3A_96] : memref<320000x16xf32, #tpu.memory_space<hbm>> -> memref<80x16xf32, #tpu.memory_space<hbm>>
      %dma_start3A_98 = arith.constant 0 : i32
      %dma_start3A_99 = tpu.memref_slice %arg2[%add3A_84, %dma_start3A_98] : memref<320000x16xf32, #tpu.memory_space<hbm>> -> memref<80x16xf32, #tpu.memory_space<hbm>>
      tpu.enqueue_dma source(%dma_start3A_99 : memref<80x16xf32, #tpu.memory_space<hbm>>) target(%arg8 : memref<80x16xf32, #tpu.memory_space<vmem>>) target_semaphore(%arg14 : memref<!tpu.dma_semaphore, #tpu.memory_space<semaphore_mem>>)
      "tpu.region"() ({
        %run_scoped3A = tpu.sem_alloc : memref<!tpu.dma_semaphore, #tpu.memory_space<semaphore_mem>>
        %dma_start3A_117 = arith.constant 0 : i32
        %dma_start3A_118 = arith.constant 0 : i32
        %dma_start3A_119 = tpu.memref_slice %arg10[%dma_start3A_117, %dma_start3A_118] : memref<10000x16xf32, #tpu.memory_space<vmem_shared>> -> memref<10000x16xf32, #tpu.memory_space<vmem_shared>>
        tpu.enqueue_indirect_dma source(%arg7 : memref<80x16xf32, #tpu.memory_space<vmem>>) target(%dma_start3A_119 : memref<10000x16xf32, #tpu.memory_space<vmem_shared>>) offsets(%arg5 : memref<80xi32, #tpu.memory_space<vmem>>) semaphore(%run_scoped3A : memref<!tpu.dma_semaphore, #tpu.memory_space<semaphore_mem>>) {add = true}
        %dma_wait3A_120 = arith.constant 0 : i32
        %dma_wait3A_121 = arith.constant 0 : i32
        %dma_wait3A_122 = tpu.memref_slice %arg10[%dma_wait3A_120, %dma_wait3A_121] : memref<10000x16xf32, #tpu.memory_space<vmem_shared>> -> memref<10000x16xf32, #tpu.memory_space<vmem_shared>>
        tpu.wait_indirect_dma semaphore(%run_scoped3A : memref<!tpu.dma_semaphore, #tpu.memory_space<semaphore_mem>>) src(%arg7 : memref<80x16xf32, #tpu.memory_space<vmem>>) dst(%dma_wait3A_122 : memref<10000x16xf32, #tpu.memory_space<vmem_shared>>)
        tpu.yield
      }) : () -> ()
      %dma_wait3A = tpu.memref_slice %arg3[%add3A_84] : memref<320000xi32, #tpu.memory_space<hbm>> -> memref<80xi32, #tpu.memory_space<hbm>>
      %dma_wait3A_100 = tpu.memref_slice %arg3[%add3A_84] : memref<320000xi32, #tpu.memory_space<hbm>> -> memref<80xi32, #tpu.memory_space<hbm>>
      tpu.wait_dma2 semaphore(%arg13 : memref<!tpu.dma_semaphore, #tpu.memory_space<semaphore_mem>>) src(%dma_wait3A_100 : memref<80xi32, #tpu.memory_space<hbm>>) dst(%arg6 : memref<80xi32, #tpu.memory_space<vmem>>)
      %dma_wait3A_101 = arith.constant 0 : i32
      %dma_wait3A_102 = tpu.memref_slice %arg2[%add3A_84, %dma_wait3A_101] : memref<320000x16xf32, #tpu.memory_space<hbm>> -> memref<80x16xf32, #tpu.memory_space<hbm>>
      %dma_wait3A_103 = arith.constant 0 : i32
      %dma_wait3A_104 = tpu.memref_slice %arg2[%add3A_84, %dma_wait3A_103] : memref<320000x16xf32, #tpu.memory_space<hbm>> -> memref<80x16xf32, #tpu.memory_space<hbm>>
      tpu.wait_dma2 semaphore(%arg14 : memref<!tpu.dma_semaphore, #tpu.memory_space<semaphore_mem>>) src(%dma_wait3A_104 : memref<80x16xf32, #tpu.memory_space<hbm>>) dst(%arg8 : memref<80x16xf32, #tpu.memory_space<vmem>>)
      %dma_start3A_105 = tpu.memref_slice %arg3[%add3A_94] : memref<320000xi32, #tpu.memory_space<hbm>> -> memref<80xi32, #tpu.memory_space<hbm>>
      %dma_start3A_106 = tpu.memref_slice %arg3[%add3A_94] : memref<320000xi32, #tpu.memory_space<hbm>> -> memref<80xi32, #tpu.memory_space<hbm>>
      tpu.enqueue_dma source(%dma_start3A_106 : memref<80xi32, #tpu.memory_space<hbm>>) target(%arg5 : memref<80xi32, #tpu.memory_space<vmem>>) target_semaphore(%arg11 : memref<!tpu.dma_semaphore, #tpu.memory_space<semaphore_mem>>)
      %dma_start3A_107 = arith.constant 0 : i32
      %dma_start3A_108 = tpu.memref_slice %arg2[%add3A_94, %dma_start3A_107] : memref<320000x16xf32, #tpu.memory_space<hbm>> -> memref<80x16xf32, #tpu.memory_space<hbm>>
      %dma_start3A_109 = arith.constant 0 : i32
      %dma_start3A_110 = tpu.memref_slice %arg2[%add3A_94, %dma_start3A_109] : memref<320000x16xf32, #tpu.memory_space<hbm>> -> memref<80x16xf32, #tpu.memory_space<hbm>>
      tpu.enqueue_dma source(%dma_start3A_110 : memref<80x16xf32, #tpu.memory_space<hbm>>) target(%arg7 : memref<80x16xf32, #tpu.memory_space<vmem>>) target_semaphore(%arg12 : memref<!tpu.dma_semaphore, #tpu.memory_space<semaphore_mem>>)
      "tpu.region"() ({
        %run_scoped3A = tpu.sem_alloc : memref<!tpu.dma_semaphore, #tpu.memory_space<semaphore_mem>>
        %dma_start3A_117 = arith.constant 0 : i32
        %dma_start3A_118 = arith.constant 0 : i32
        %dma_start3A_119 = tpu.memref_slice %arg10[%dma_start3A_117, %dma_start3A_118] : memref<10000x16xf32, #tpu.memory_space<vmem_shared>> -> memref<10000x16xf32, #tpu.memory_space<vmem_shared>>
        tpu.enqueue_indirect_dma source(%arg8 : memref<80x16xf32, #tpu.memory_space<vmem>>) target(%dma_start3A_119 : memref<10000x16xf32, #tpu.memory_space<vmem_shared>>) offsets(%arg6 : memref<80xi32, #tpu.memory_space<vmem>>) semaphore(%run_scoped3A : memref<!tpu.dma_semaphore, #tpu.memory_space<semaphore_mem>>) {add = true}
        %dma_wait3A_120 = arith.constant 0 : i32
        %dma_wait3A_121 = arith.constant 0 : i32
        %dma_wait3A_122 = tpu.memref_slice %arg10[%dma_wait3A_120, %dma_wait3A_121] : memref<10000x16xf32, #tpu.memory_space<vmem_shared>> -> memref<10000x16xf32, #tpu.memory_space<vmem_shared>>
        tpu.wait_indirect_dma semaphore(%run_scoped3A : memref<!tpu.dma_semaphore, #tpu.memory_space<semaphore_mem>>) src(%arg8 : memref<80x16xf32, #tpu.memory_space<vmem>>) dst(%dma_wait3A_122 : memref<10000x16xf32, #tpu.memory_space<vmem_shared>>)
        tpu.yield
      }) : () -> ()
      %dma_wait3A_111 = tpu.memref_slice %arg3[%add3A_94] : memref<320000xi32, #tpu.memory_space<hbm>> -> memref<80xi32, #tpu.memory_space<hbm>>
      %dma_wait3A_112 = tpu.memref_slice %arg3[%add3A_94] : memref<320000xi32, #tpu.memory_space<hbm>> -> memref<80xi32, #tpu.memory_space<hbm>>
      tpu.wait_dma2 semaphore(%arg11 : memref<!tpu.dma_semaphore, #tpu.memory_space<semaphore_mem>>) src(%dma_wait3A_112 : memref<80xi32, #tpu.memory_space<hbm>>) dst(%arg5 : memref<80xi32, #tpu.memory_space<vmem>>)
      %dma_wait3A_113 = arith.constant 0 : i32
      %dma_wait3A_114 = tpu.memref_slice %arg2[%add3A_94, %dma_wait3A_113] : memref<320000x16xf32, #tpu.memory_space<hbm>> -> memref<80x16xf32, #tpu.memory_space<hbm>>
      %dma_wait3A_115 = arith.constant 0 : i32
      %dma_wait3A_116 = tpu.memref_slice %arg2[%add3A_94, %dma_wait3A_115] : memref<320000x16xf32, #tpu.memory_space<hbm>> -> memref<80x16xf32, #tpu.memory_space<hbm>>
      tpu.wait_dma2 semaphore(%arg12 : memref<!tpu.dma_semaphore, #tpu.memory_space<semaphore_mem>>) src(%dma_wait3A_116 : memref<80x16xf32, #tpu.memory_space<hbm>>) dst(%arg7 : memref<80x16xf32, #tpu.memory_space<vmem>>)
    }
    %scan3A_41 = arith.constant 62 : i32
    %mul3A_42 = arith.constant 10000 : i32
    %mul3A_43 = arith.muli %add3A, %mul3A_42 : i32
    %add3A_44 = arith.constant 9920 : i32
    %add3A_45 = arith.addi %mul3A_43, %add3A_44 : i32
    "tpu.region"() ({
      %run_scoped3A = tpu.sem_alloc : memref<!tpu.dma_semaphore, #tpu.memory_space<semaphore_mem>>
      %dma_start3A = tpu.memref_slice %arg3[%add3A_45] : memref<320000xi32, #tpu.memory_space<hbm>> -> memref<80xi32, #tpu.memory_space<hbm>>
      %dma_start3A_75 = tpu.memref_slice %arg3[%add3A_45] : memref<320000xi32, #tpu.memory_space<hbm>> -> memref<80xi32, #tpu.memory_space<hbm>>
      tpu.enqueue_dma source(%dma_start3A_75 : memref<80xi32, #tpu.memory_space<hbm>>) target(%arg5 : memref<80xi32, #tpu.memory_space<vmem>>) target_semaphore(%run_scoped3A : memref<!tpu.dma_semaphore, #tpu.memory_space<semaphore_mem>>)
      %dma_wait3A = tpu.memref_slice %arg3[%add3A_45] : memref<320000xi32, #tpu.memory_space<hbm>> -> memref<80xi32, #tpu.memory_space<hbm>>
      %dma_wait3A_76 = tpu.memref_slice %arg3[%add3A_45] : memref<320000xi32, #tpu.memory_space<hbm>> -> memref<80xi32, #tpu.memory_space<hbm>>
      tpu.wait_dma2 semaphore(%run_scoped3A : memref<!tpu.dma_semaphore, #tpu.memory_space<semaphore_mem>>) src(%dma_wait3A_76 : memref<80xi32, #tpu.memory_space<hbm>>) dst(%arg5 : memref<80xi32, #tpu.memory_space<vmem>>)
      tpu.yield
    }) : () -> ()
    "tpu.region"() ({
      %run_scoped3A = tpu.sem_alloc : memref<!tpu.dma_semaphore, #tpu.memory_space<semaphore_mem>>
      %dma_start3A = arith.constant 0 : i32
      %dma_start3A_75 = tpu.memref_slice %arg2[%add3A_45, %dma_start3A] : memref<320000x16xf32, #tpu.memory_space<hbm>> -> memref<80x16xf32, #tpu.memory_space<hbm>>
      %dma_start3A_76 = arith.constant 0 : i32
      %dma_start3A_77 = tpu.memref_slice %arg2[%add3A_45, %dma_start3A_76] : memref<320000x16xf32, #tpu.memory_space<hbm>> -> memref<80x16xf32, #tpu.memory_space<hbm>>
      tpu.enqueue_dma source(%dma_start3A_77 : memref<80x16xf32, #tpu.memory_space<hbm>>) target(%arg7 : memref<80x16xf32, #tpu.memory_space<vmem>>) target_semaphore(%run_scoped3A : memref<!tpu.dma_semaphore, #tpu.memory_space<semaphore_mem>>)
      %dma_wait3A = arith.constant 0 : i32
      %dma_wait3A_78 = tpu.memref_slice %arg2[%add3A_45, %dma_wait3A] : memref<320000x16xf32, #tpu.memory_space<hbm>> -> memref<80x16xf32, #tpu.memory_space<hbm>>
      %dma_wait3A_79 = arith.constant 0 : i32
      %dma_wait3A_80 = tpu.memref_slice %arg2[%add3A_45, %dma_wait3A_79] : memref<320000x16xf32, #tpu.memory_space<hbm>> -> memref<80x16xf32, #tpu.memory_space<hbm>>
      tpu.wait_dma2 semaphore(%run_scoped3A : memref<!tpu.dma_semaphore, #tpu.memory_space<semaphore_mem>>) src(%dma_wait3A_80 : memref<80x16xf32, #tpu.memory_space<hbm>>) dst(%arg7 : memref<80x16xf32, #tpu.memory_space<vmem>>)
      tpu.yield
    }) : () -> ()
    "tpu.region"() ({
      %run_scoped3A = tpu.sem_alloc : memref<!tpu.dma_semaphore, #tpu.memory_space<semaphore_mem>>
      %dma_start3A = arith.constant 0 : i32
      %dma_start3A_75 = arith.constant 0 : i32
      %dma_start3A_76 = tpu.memref_slice %arg10[%dma_start3A, %dma_start3A_75] : memref<10000x16xf32, #tpu.memory_space<vmem_shared>> -> memref<10000x16xf32, #tpu.memory_space<vmem_shared>>
      tpu.enqueue_indirect_dma source(%arg7 : memref<80x16xf32, #tpu.memory_space<vmem>>) target(%dma_start3A_76 : memref<10000x16xf32, #tpu.memory_space<vmem_shared>>) offsets(%arg5 : memref<80xi32, #tpu.memory_space<vmem>>) semaphore(%run_scoped3A : memref<!tpu.dma_semaphore, #tpu.memory_space<semaphore_mem>>) {add = true}
      %dma_wait3A = arith.constant 0 : i32
      %dma_wait3A_77 = arith.constant 0 : i32
      %dma_wait3A_78 = tpu.memref_slice %arg10[%dma_wait3A, %dma_wait3A_77] : memref<10000x16xf32, #tpu.memory_space<vmem_shared>> -> memref<10000x16xf32, #tpu.memory_space<vmem_shared>>
      tpu.wait_indirect_dma semaphore(%run_scoped3A : memref<!tpu.dma_semaphore, #tpu.memory_space<semaphore_mem>>) src(%arg7 : memref<80x16xf32, #tpu.memory_space<vmem>>) dst(%dma_wait3A_78 : memref<10000x16xf32, #tpu.memory_space<vmem_shared>>)
      tpu.yield
    }) : () -> ()
    %barrier3A_46 = arith.constant 0 : index
    tpu.barrier barrier_id(%barrier3A_46)
    %add3A_47 = arith.constant 0 : i32
    %add3A_48 = arith.addi %arg1, %add3A_47 : i32
    %lt3A_49 = arith.constant 50 : i32
    %lt3A_50 = arith.cmpi slt, %add3A_48, %lt3A_49 : i32
    %convert_element_type3A_51 = arith.extui %lt3A_50 : i1 to i32
    %cond3A_52 = arith.constant 0 : i32
    %cond3A_53 = arith.cmpi ne, %convert_element_type3A_51, %cond3A_52 : i32
    scf.if %cond3A_53 {
      %mul3A_75 = arith.constant 200 : i32
      %mul3A_76 = arith.muli %add3A_48, %mul3A_75 : i32
      "tpu.region"() ({
        %run_scoped3A = tpu.sem_alloc : memref<!tpu.dma_semaphore, #tpu.memory_space<semaphore_mem>>
        %dma_start3A = arith.constant 0 : i32
        %dma_start3A_77 = tpu.memref_slice %arg4[%arg0, %mul3A_76, %dma_start3A] : memref<2x10000x16xf32, #tpu.memory_space<hbm>> -> memref<1x200x16xf32, #tpu.memory_space<hbm>>
        %dma_start3A_78 = tpu.memref_squeeze %dma_start3A_77 : memref<1x200x16xf32, #tpu.memory_space<hbm>> -> memref<200x16xf32, #tpu.memory_space<hbm>>
        %dma_start3A_79 = arith.constant 0 : i32
        %dma_start3A_80 = tpu.memref_slice %arg10[%mul3A_76, %dma_start3A_79] : memref<10000x16xf32, #tpu.memory_space<vmem_shared>> -> memref<200x16xf32, #tpu.memory_space<vmem_shared>>
        tpu.enqueue_dma source(%dma_start3A_80 : memref<200x16xf32, #tpu.memory_space<vmem_shared>>) target(%dma_start3A_78 : memref<200x16xf32, #tpu.memory_space<hbm>>) target_semaphore(%run_scoped3A : memref<!tpu.dma_semaphore, #tpu.memory_space<semaphore_mem>>)
        %dma_wait3A = arith.constant 0 : i32
        %dma_wait3A_81 = tpu.memref_slice %arg4[%arg0, %mul3A_76, %dma_wait3A] : memref<2x10000x16xf32, #tpu.memory_space<hbm>> -> memref<1x200x16xf32, #tpu.memory_space<hbm>>
        %dma_wait3A_82 = tpu.memref_squeeze %dma_wait3A_81 : memref<1x200x16xf32, #tpu.memory_space<hbm>> -> memref<200x16xf32, #tpu.memory_space<hbm>>
        %dma_wait3A_83 = arith.constant 0 : i32
        %dma_wait3A_84 = tpu.memref_slice %arg10[%mul3A_76, %dma_wait3A_83] : memref<10000x16xf32, #tpu.memory_space<vmem_shared>> -> memref<200x16xf32, #tpu.memory_space<vmem_shared>>
        tpu.wait_dma2 semaphore(%run_scoped3A : memref<!tpu.dma_semaphore, #tpu.memory_space<semaphore_mem>>) src(%dma_wait3A_84 : memref<200x16xf32, #tpu.memory_space<vmem_shared>>) dst(%dma_wait3A_82 : memref<200x16xf32, #tpu.memory_space<hbm>>)
        tpu.yield
      }) : () -> ()
    } else {
    }
    %add3A_54 = arith.constant 16 : i32
    %add3A_55 = arith.addi %arg1, %add3A_54 : i32
    %lt3A_56 = arith.constant 50 : i32
    %lt3A_57 = arith.cmpi slt, %add3A_55, %lt3A_56 : i32
    %convert_element_type3A_58 = arith.extui %lt3A_57 : i1 to i32
    %cond3A_59 = arith.constant 0 : i32
    %cond3A_60 = arith.cmpi ne, %convert_element_type3A_58, %cond3A_59 : i32
    scf.if %cond3A_60 {
      %mul3A_75 = arith.constant 200 : i32
      %mul3A_76 = arith.muli %add3A_55, %mul3A_75 : i32
      "tpu.region"() ({
        %run_scoped3A = tpu.sem_alloc : memref<!tpu.dma_semaphore, #tpu.memory_space<semaphore_mem>>
        %dma_start3A = arith.constant 0 : i32
        %dma_start3A_77 = tpu.memref_slice %arg4[%arg0, %mul3A_76, %dma_start3A] : memref<2x10000x16xf32, #tpu.memory_space<hbm>> -> memref<1x200x16xf32, #tpu.memory_space<hbm>>
        %dma_start3A_78 = tpu.memref_squeeze %dma_start3A_77 : memref<1x200x16xf32, #tpu.memory_space<hbm>> -> memref<200x16xf32, #tpu.memory_space<hbm>>
        %dma_start3A_79 = arith.constant 0 : i32
        %dma_start3A_80 = tpu.memref_slice %arg10[%mul3A_76, %dma_start3A_79] : memref<10000x16xf32, #tpu.memory_space<vmem_shared>> -> memref<200x16xf32, #tpu.memory_space<vmem_shared>>
        tpu.enqueue_dma source(%dma_start3A_80 : memref<200x16xf32, #tpu.memory_space<vmem_shared>>) target(%dma_start3A_78 : memref<200x16xf32, #tpu.memory_space<hbm>>) target_semaphore(%run_scoped3A : memref<!tpu.dma_semaphore, #tpu.memory_space<semaphore_mem>>)
        %dma_wait3A = arith.constant 0 : i32
        %dma_wait3A_81 = tpu.memref_slice %arg4[%arg0, %mul3A_76, %dma_wait3A] : memref<2x10000x16xf32, #tpu.memory_space<hbm>> -> memref<1x200x16xf32, #tpu.memory_space<hbm>>
        %dma_wait3A_82 = tpu.memref_squeeze %dma_wait3A_81 : memref<1x200x16xf32, #tpu.memory_space<hbm>> -> memref<200x16xf32, #tpu.memory_space<hbm>>
        %dma_wait3A_83 = arith.constant 0 : i32
        %dma_wait3A_84 = tpu.memref_slice %arg10[%mul3A_76, %dma_wait3A_83] : memref<10000x16xf32, #tpu.memory_space<vmem_shared>> -> memref<200x16xf32, #tpu.memory_space<vmem_shared>>
        tpu.wait_dma2 semaphore(%run_scoped3A : memref<!tpu.dma_semaphore, #tpu.memory_space<semaphore_mem>>) src(%dma_wait3A_84 : memref<200x16xf32, #tpu.memory_space<vmem_shared>>) dst(%dma_wait3A_82 : memref<200x16xf32, #tpu.memory_space<hbm>>)
        tpu.yield
      }) : () -> ()
    } else {
    }
    %add3A_61 = arith.constant 32 : i32
    %add3A_62 = arith.addi %arg1, %add3A_61 : i32
    %lt3A_63 = arith.constant 50 : i32
    %lt3A_64 = arith.cmpi slt, %add3A_62, %lt3A_63 : i32
    %convert_element_type3A_65 = arith.extui %lt3A_64 : i1 to i32
    %cond3A_66 = arith.constant 0 : i32
    %cond3A_67 = arith.cmpi ne, %convert_element_type3A_65, %cond3A_66 : i32
    scf.if %cond3A_67 {
      %mul3A_75 = arith.constant 200 : i32
      %mul3A_76 = arith.muli %add3A_62, %mul3A_75 : i32
      "tpu.region"() ({
        %run_scoped3A = tpu.sem_alloc : memref<!tpu.dma_semaphore, #tpu.memory_space<semaphore_mem>>
        %dma_start3A = arith.constant 0 : i32
        %dma_start3A_77 = tpu.memref_slice %arg4[%arg0, %mul3A_76, %dma_start3A] : memref<2x10000x16xf32, #tpu.memory_space<hbm>> -> memref<1x200x16xf32, #tpu.memory_space<hbm>>
        %dma_start3A_78 = tpu.memref_squeeze %dma_start3A_77 : memref<1x200x16xf32, #tpu.memory_space<hbm>> -> memref<200x16xf32, #tpu.memory_space<hbm>>
        %dma_start3A_79 = arith.constant 0 : i32
        %dma_start3A_80 = tpu.memref_slice %arg10[%mul3A_76, %dma_start3A_79] : memref<10000x16xf32, #tpu.memory_space<vmem_shared>> -> memref<200x16xf32, #tpu.memory_space<vmem_shared>>
        tpu.enqueue_dma source(%dma_start3A_80 : memref<200x16xf32, #tpu.memory_space<vmem_shared>>) target(%dma_start3A_78 : memref<200x16xf32, #tpu.memory_space<hbm>>) target_semaphore(%run_scoped3A : memref<!tpu.dma_semaphore, #tpu.memory_space<semaphore_mem>>)
        %dma_wait3A = arith.constant 0 : i32
        %dma_wait3A_81 = tpu.memref_slice %arg4[%arg0, %mul3A_76, %dma_wait3A] : memref<2x10000x16xf32, #tpu.memory_space<hbm>> -> memref<1x200x16xf32, #tpu.memory_space<hbm>>
        %dma_wait3A_82 = tpu.memref_squeeze %dma_wait3A_81 : memref<1x200x16xf32, #tpu.memory_space<hbm>> -> memref<200x16xf32, #tpu.memory_space<hbm>>
        %dma_wait3A_83 = arith.constant 0 : i32
        %dma_wait3A_84 = tpu.memref_slice %arg10[%mul3A_76, %dma_wait3A_83] : memref<10000x16xf32, #tpu.memory_space<vmem_shared>> -> memref<200x16xf32, #tpu.memory_space<vmem_shared>>
        tpu.wait_dma2 semaphore(%run_scoped3A : memref<!tpu.dma_semaphore, #tpu.memory_space<semaphore_mem>>) src(%dma_wait3A_84 : memref<200x16xf32, #tpu.memory_space<vmem_shared>>) dst(%dma_wait3A_82 : memref<200x16xf32, #tpu.memory_space<hbm>>)
        tpu.yield
      }) : () -> ()
    } else {
    }
    %add3A_68 = arith.constant 48 : i32
    %add3A_69 = arith.addi %arg1, %add3A_68 : i32
    %lt3A_70 = arith.constant 50 : i32
    %lt3A_71 = arith.cmpi slt, %add3A_69, %lt3A_70 : i32
    %convert_element_type3A_72 = arith.extui %lt3A_71 : i1 to i32
    %cond3A_73 = arith.constant 0 : i32
    %cond3A_74 = arith.cmpi ne, %convert_element_type3A_72, %cond3A_73 : i32
    scf.if %cond3A_74 {
      %mul3A_75 = arith.constant 200 : i32
      %mul3A_76 = arith.muli %add3A_69, %mul3A_75 : i32
      "tpu.region"() ({
        %run_scoped3A = tpu.sem_alloc : memref<!tpu.dma_semaphore, #tpu.memory_space<semaphore_mem>>
        %dma_start3A = arith.constant 0 : i32
        %dma_start3A_77 = tpu.memref_slice %arg4[%arg0, %mul3A_76, %dma_start3A] : memref<2x10000x16xf32, #tpu.memory_space<hbm>> -> memref<1x200x16xf32, #tpu.memory_space<hbm>>
        %dma_start3A_78 = tpu.memref_squeeze %dma_start3A_77 : memref<1x200x16xf32, #tpu.memory_space<hbm>> -> memref<200x16xf32, #tpu.memory_space<hbm>>
        %dma_start3A_79 = arith.constant 0 : i32
        %dma_start3A_80 = tpu.memref_slice %arg10[%mul3A_76, %dma_start3A_79] : memref<10000x16xf32, #tpu.memory_space<vmem_shared>> -> memref<200x16xf32, #tpu.memory_space<vmem_shared>>
        tpu.enqueue_dma source(%dma_start3A_80 : memref<200x16xf32, #tpu.memory_space<vmem_shared>>) target(%dma_start3A_78 : memref<200x16xf32, #tpu.memory_space<hbm>>) target_semaphore(%run_scoped3A : memref<!tpu.dma_semaphore, #tpu.memory_space<semaphore_mem>>)
        %dma_wait3A = arith.constant 0 : i32
        %dma_wait3A_81 = tpu.memref_slice %arg4[%arg0, %mul3A_76, %dma_wait3A] : memref<2x10000x16xf32, #tpu.memory_space<hbm>> -> memref<1x200x16xf32, #tpu.memory_space<hbm>>
        %dma_wait3A_82 = tpu.memref_squeeze %dma_wait3A_81 : memref<1x200x16xf32, #tpu.memory_space<hbm>> -> memref<200x16xf32, #tpu.memory_space<hbm>>
        %dma_wait3A_83 = arith.constant 0 : i32
        %dma_wait3A_84 = tpu.memref_slice %arg10[%mul3A_76, %dma_wait3A_83] : memref<10000x16xf32, #tpu.memory_space<vmem_shared>> -> memref<200x16xf32, #tpu.memory_space<vmem_shared>>
        tpu.wait_dma2 semaphore(%run_scoped3A : memref<!tpu.dma_semaphore, #tpu.memory_space<semaphore_mem>>) src(%dma_wait3A_84 : memref<200x16xf32, #tpu.memory_space<vmem_shared>>) dst(%dma_wait3A_82 : memref<200x16xf32, #tpu.memory_space<hbm>>)
        tpu.yield
      }) : () -> ()
    } else {
    }
    return
  }
}

#map = affine_map<(d0, d1) -> (0, 0, 0)>
#map1 = affine_map<(d0, d1) -> (0)>
module attributes {stable_mosaic.version = 14 : i64} {
  func.func @_phase_b1_body(%arg0: i32, %arg1: i32, %arg2: memref<4x320000x32xf32, #tpu.memory_space<hbm>>, %arg3: memref<320000xi32, #tpu.memory_space<hbm>>, %arg4: memref<4x10000x32xf32, #tpu.memory_space<hbm>>, %arg5: memref<80xi32, #tpu.memory_space<vmem>>, %arg6: memref<80xi32, #tpu.memory_space<vmem>>, %arg7: memref<80x32xf32, #tpu.memory_space<vmem>>, %arg8: memref<80x32xf32, #tpu.memory_space<vmem>>, %arg9: memref<200x32xf32, #tpu.memory_space<vmem>>, %arg10: memref<10000x32xf32, #tpu.memory_space<vmem_shared>>, %arg11: memref<!tpu.dma_semaphore, #tpu.memory_space<semaphore_mem>>, %arg12: memref<!tpu.dma_semaphore, #tpu.memory_space<semaphore_mem>>, %arg13: memref<!tpu.dma_semaphore, #tpu.memory_space<semaphore_mem>>, %arg14: memref<!tpu.dma_semaphore, #tpu.memory_space<semaphore_mem>>) attributes {dimension_semantics = [#tpu.dimension_semantics<core_parallel>, #tpu.dimension_semantics<subcore_parallel>], iteration_bounds = array<i64: 2, 16>, scalar_prefetch = 0 : i64, scratch_operands = 10 : i64, tpu.core_type = #tpu.core_type<sc_vector_subcore>, window_params = [{transform_indices = #map}, {transform_indices = #map1}, {transform_indices = #map}]} {
    %broadcast_in_dim3A = arith.constant 0.000000e+00 : f32
    %broadcast_in_dim3A_0 = vector.broadcast %broadcast_in_dim3A : f32 to vector<16xf32>
    %scan3A = arith.constant 0 : i32
    %scan3A_1 = arith.constant 0 : i32
    %scan3A_2 = arith.constant 400 : i32
    %scan3A_3 = arith.addi %scan3A_1, %scan3A_2 : i32
    %scan3A_4 = arith.constant 1 : i32
    scf.for %scan3A_146 = %scan3A_1 to %scan3A_3 step %scan3A_4  : i32 {
      %jit3A = arith.constant 2 : i32
      %div3A = arith.divsi %scan3A_146, %jit3A : i32
      %sign3A = arith.constant 0 : i32
      %sign3A_147 = arith.cmpi sgt, %scan3A_146, %sign3A : i32
      %sign3A_148 = arith.extui %sign3A_147 : i1 to i32
      %sign3A_149 = arith.constant 0 : i32
      %sign3A_150 = arith.cmpi slt, %scan3A_146, %sign3A_149 : i32
      %sign3A_151 = arith.extui %sign3A_150 : i1 to i32
      %sign3A_152 = arith.subi %sign3A_148, %sign3A_151 : i32
      %sign3A_153 = arith.constant 0 : i32
      %sign3A_154 = arith.cmpi sgt, %jit3A, %sign3A_153 : i32
      %sign3A_155 = arith.extui %sign3A_154 : i1 to i32
      %sign3A_156 = arith.constant 0 : i32
      %sign3A_157 = arith.cmpi slt, %jit3A, %sign3A_156 : i32
      %sign3A_158 = arith.extui %sign3A_157 : i1 to i32
      %sign3A_159 = arith.subi %sign3A_155, %sign3A_158 : i32
      %ne3A = arith.cmpi ne, %sign3A_152, %sign3A_159 : i32
      %rem3A = arith.remsi %scan3A_146, %jit3A : i32
      %ne3A_160 = arith.constant 0 : i32
      %ne3A_161 = arith.cmpi ne, %rem3A, %ne3A_160 : i32
      %and3A = arith.andi %ne3A, %ne3A_161 : i1
      %sub3A = arith.constant 1 : i32
      %sub3A_162 = arith.subi %div3A, %sub3A : i32
      %select_n3A = arith.select %and3A, %sub3A_162, %div3A : i32
      %jit3A_163 = arith.constant 2 : i32
      %eq3A = arith.constant 0 : i32
      %eq3A_164 = arith.cmpi eq, %jit3A_163, %eq3A : i32
      %jit3A_165 = arith.constant 1 : i32
      %select_n3A_166 = arith.select %eq3A_164, %jit3A_165, %jit3A_163 : i32
      %rem3A_167 = arith.remsi %scan3A_146, %select_n3A_166 : i32
      %ne3A_168 = arith.constant 0 : i32
      %ne3A_169 = arith.cmpi ne, %rem3A_167, %ne3A_168 : i32
      %lt3A_170 = arith.constant 0 : i32
      %lt3A_171 = arith.cmpi slt, %rem3A_167, %lt3A_170 : i32
      %lt3A_172 = arith.constant 0 : i32
      %lt3A_173 = arith.cmpi slt, %select_n3A_166, %lt3A_172 : i32
      %ne3A_174 = arith.xori %lt3A_171, %lt3A_173 : i1
      %and3A_175 = arith.andi %ne3A_174, %ne3A_169 : i1
      %add3A_176 = arith.addi %rem3A_167, %select_n3A_166 : i32
      %select_n3A_177 = arith.select %and3A_175, %add3A_176, %rem3A_167 : i32
      %mul3A_178 = arith.constant 16 : i32
      %mul3A_179 = arith.muli %select_n3A_177, %mul3A_178 : i32
      %swap3A = arith.index_cast %select_n3A : i32 to index
      %swap3A_180 = arith.index_cast %mul3A_179 : i32 to index
      %swap3A_181 = tpu.vector_load %arg9[%swap3A, %swap3A_180] {strides = array<i32>} : memref<200x32xf32, #tpu.memory_space<vmem>>, vector<1x16xf32>,
      %swap3A_182 = vector.shape_cast %swap3A_181 : vector<1x16xf32> to vector<16xf32>
      %swap3A_183 = vector.shape_cast %broadcast_in_dim3A_0 : vector<16xf32> to vector<1x16xf32>
      tpu.vector_store %arg9[%swap3A, %swap3A_180], %swap3A_183 {strides = array<i32>} : memref<200x32xf32, #tpu.memory_space<vmem>>, vector<1x16xf32>,
    }
    %scan3A_5 = arith.constant 400 : i32
    %mul3A = arith.constant 2 : i32
    %mul3A_6 = arith.muli %arg0, %mul3A : i32
    %add3A = arith.constant 0 : i32
    %add3A_7 = arith.addi %mul3A_6, %add3A : i32
    %add3A_8 = arith.constant 0 : i32
    %add3A_9 = arith.addi %arg1, %add3A_8 : i32
    %lt3A = arith.constant 50 : i32
    %lt3A_10 = arith.cmpi slt, %add3A_9, %lt3A : i32
    %convert_element_type3A = arith.extui %lt3A_10 : i1 to i32
    %cond3A = arith.constant 0 : i32
    %cond3A_11 = arith.cmpi ne, %convert_element_type3A, %cond3A : i32
    scf.if %cond3A_11 {
      %mul3A_146 = arith.constant 200 : i32
      %mul3A_147 = arith.muli %add3A_9, %mul3A_146 : i32
      "tpu.region"() ({
        %run_scoped3A = tpu.sem_alloc : memref<!tpu.dma_semaphore, #tpu.memory_space<semaphore_mem>>
        %dma_start3A = arith.constant 0 : i32
        %dma_start3A_148 = tpu.memref_slice %arg10[%mul3A_147, %dma_start3A] : memref<10000x32xf32, #tpu.memory_space<vmem_shared>> -> memref<200x32xf32, #tpu.memory_space<vmem_shared>>
        %dma_start3A_149 = arith.constant 0 : i32
        %dma_start3A_150 = tpu.memref_slice %arg10[%mul3A_147, %dma_start3A_149] : memref<10000x32xf32, #tpu.memory_space<vmem_shared>> -> memref<200x32xf32, #tpu.memory_space<vmem_shared>>
        tpu.enqueue_dma source(%arg9 : memref<200x32xf32, #tpu.memory_space<vmem>>) target(%dma_start3A_150 : memref<200x32xf32, #tpu.memory_space<vmem_shared>>) target_semaphore(%run_scoped3A : memref<!tpu.dma_semaphore, #tpu.memory_space<semaphore_mem>>)
        %dma_wait3A = arith.constant 0 : i32
        %dma_wait3A_151 = tpu.memref_slice %arg10[%mul3A_147, %dma_wait3A] : memref<10000x32xf32, #tpu.memory_space<vmem_shared>> -> memref<200x32xf32, #tpu.memory_space<vmem_shared>>
        %dma_wait3A_152 = arith.constant 0 : i32
        %dma_wait3A_153 = tpu.memref_slice %arg10[%mul3A_147, %dma_wait3A_152] : memref<10000x32xf32, #tpu.memory_space<vmem_shared>> -> memref<200x32xf32, #tpu.memory_space<vmem_shared>>
        tpu.wait_dma2 semaphore(%run_scoped3A : memref<!tpu.dma_semaphore, #tpu.memory_space<semaphore_mem>>) src(%arg9 : memref<200x32xf32, #tpu.memory_space<vmem>>) dst(%dma_wait3A_153 : memref<200x32xf32, #tpu.memory_space<vmem_shared>>)
        tpu.yield
      }) : () -> ()
    } else {
    }
    %add3A_12 = arith.constant 16 : i32
    %add3A_13 = arith.addi %arg1, %add3A_12 : i32
    %lt3A_14 = arith.constant 50 : i32
    %lt3A_15 = arith.cmpi slt, %add3A_13, %lt3A_14 : i32
    %convert_element_type3A_16 = arith.extui %lt3A_15 : i1 to i32
    %cond3A_17 = arith.constant 0 : i32
    %cond3A_18 = arith.cmpi ne, %convert_element_type3A_16, %cond3A_17 : i32
    scf.if %cond3A_18 {
      %mul3A_146 = arith.constant 200 : i32
      %mul3A_147 = arith.muli %add3A_13, %mul3A_146 : i32
      "tpu.region"() ({
        %run_scoped3A = tpu.sem_alloc : memref<!tpu.dma_semaphore, #tpu.memory_space<semaphore_mem>>
        %dma_start3A = arith.constant 0 : i32
        %dma_start3A_148 = tpu.memref_slice %arg10[%mul3A_147, %dma_start3A] : memref<10000x32xf32, #tpu.memory_space<vmem_shared>> -> memref<200x32xf32, #tpu.memory_space<vmem_shared>>
        %dma_start3A_149 = arith.constant 0 : i32
        %dma_start3A_150 = tpu.memref_slice %arg10[%mul3A_147, %dma_start3A_149] : memref<10000x32xf32, #tpu.memory_space<vmem_shared>> -> memref<200x32xf32, #tpu.memory_space<vmem_shared>>
        tpu.enqueue_dma source(%arg9 : memref<200x32xf32, #tpu.memory_space<vmem>>) target(%dma_start3A_150 : memref<200x32xf32, #tpu.memory_space<vmem_shared>>) target_semaphore(%run_scoped3A : memref<!tpu.dma_semaphore, #tpu.memory_space<semaphore_mem>>)
        %dma_wait3A = arith.constant 0 : i32
        %dma_wait3A_151 = tpu.memref_slice %arg10[%mul3A_147, %dma_wait3A] : memref<10000x32xf32, #tpu.memory_space<vmem_shared>> -> memref<200x32xf32, #tpu.memory_space<vmem_shared>>
        %dma_wait3A_152 = arith.constant 0 : i32
        %dma_wait3A_153 = tpu.memref_slice %arg10[%mul3A_147, %dma_wait3A_152] : memref<10000x32xf32, #tpu.memory_space<vmem_shared>> -> memref<200x32xf32, #tpu.memory_space<vmem_shared>>
        tpu.wait_dma2 semaphore(%run_scoped3A : memref<!tpu.dma_semaphore, #tpu.memory_space<semaphore_mem>>) src(%arg9 : memref<200x32xf32, #tpu.memory_space<vmem>>) dst(%dma_wait3A_153 : memref<200x32xf32, #tpu.memory_space<vmem_shared>>)
        tpu.yield
      }) : () -> ()
    } else {
    }
    %add3A_19 = arith.constant 32 : i32
    %add3A_20 = arith.addi %arg1, %add3A_19 : i32
    %lt3A_21 = arith.constant 50 : i32
    %lt3A_22 = arith.cmpi slt, %add3A_20, %lt3A_21 : i32
    %convert_element_type3A_23 = arith.extui %lt3A_22 : i1 to i32
    %cond3A_24 = arith.constant 0 : i32
    %cond3A_25 = arith.cmpi ne, %convert_element_type3A_23, %cond3A_24 : i32
    scf.if %cond3A_25 {
      %mul3A_146 = arith.constant 200 : i32
      %mul3A_147 = arith.muli %add3A_20, %mul3A_146 : i32
      "tpu.region"() ({
        %run_scoped3A = tpu.sem_alloc : memref<!tpu.dma_semaphore, #tpu.memory_space<semaphore_mem>>
        %dma_start3A = arith.constant 0 : i32
        %dma_start3A_148 = tpu.memref_slice %arg10[%mul3A_147, %dma_start3A] : memref<10000x32xf32, #tpu.memory_space<vmem_shared>> -> memref<200x32xf32, #tpu.memory_space<vmem_shared>>
        %dma_start3A_149 = arith.constant 0 : i32
        %dma_start3A_150 = tpu.memref_slice %arg10[%mul3A_147, %dma_start3A_149] : memref<10000x32xf32, #tpu.memory_space<vmem_shared>> -> memref<200x32xf32, #tpu.memory_space<vmem_shared>>
        tpu.enqueue_dma source(%arg9 : memref<200x32xf32, #tpu.memory_space<vmem>>) target(%dma_start3A_150 : memref<200x32xf32, #tpu.memory_space<vmem_shared>>) target_semaphore(%run_scoped3A : memref<!tpu.dma_semaphore, #tpu.memory_space<semaphore_mem>>)
        %dma_wait3A = arith.constant 0 : i32
        %dma_wait3A_151 = tpu.memref_slice %arg10[%mul3A_147, %dma_wait3A] : memref<10000x32xf32, #tpu.memory_space<vmem_shared>> -> memref<200x32xf32, #tpu.memory_space<vmem_shared>>
        %dma_wait3A_152 = arith.constant 0 : i32
        %dma_wait3A_153 = tpu.memref_slice %arg10[%mul3A_147, %dma_wait3A_152] : memref<10000x32xf32, #tpu.memory_space<vmem_shared>> -> memref<200x32xf32, #tpu.memory_space<vmem_shared>>
        tpu.wait_dma2 semaphore(%run_scoped3A : memref<!tpu.dma_semaphore, #tpu.memory_space<semaphore_mem>>) src(%arg9 : memref<200x32xf32, #tpu.memory_space<vmem>>) dst(%dma_wait3A_153 : memref<200x32xf32, #tpu.memory_space<vmem_shared>>)
        tpu.yield
      }) : () -> ()
    } else {
    }
    %add3A_26 = arith.constant 48 : i32
    %add3A_27 = arith.addi %arg1, %add3A_26 : i32
    %lt3A_28 = arith.constant 50 : i32
    %lt3A_29 = arith.cmpi slt, %add3A_27, %lt3A_28 : i32
    %convert_element_type3A_30 = arith.extui %lt3A_29 : i1 to i32
    %cond3A_31 = arith.constant 0 : i32
    %cond3A_32 = arith.cmpi ne, %convert_element_type3A_30, %cond3A_31 : i32
    scf.if %cond3A_32 {
      %mul3A_146 = arith.constant 200 : i32
      %mul3A_147 = arith.muli %add3A_27, %mul3A_146 : i32
      "tpu.region"() ({
        %run_scoped3A = tpu.sem_alloc : memref<!tpu.dma_semaphore, #tpu.memory_space<semaphore_mem>>
        %dma_start3A = arith.constant 0 : i32
        %dma_start3A_148 = tpu.memref_slice %arg10[%mul3A_147, %dma_start3A] : memref<10000x32xf32, #tpu.memory_space<vmem_shared>> -> memref<200x32xf32, #tpu.memory_space<vmem_shared>>
        %dma_start3A_149 = arith.constant 0 : i32
        %dma_start3A_150 = tpu.memref_slice %arg10[%mul3A_147, %dma_start3A_149] : memref<10000x32xf32, #tpu.memory_space<vmem_shared>> -> memref<200x32xf32, #tpu.memory_space<vmem_shared>>
        tpu.enqueue_dma source(%arg9 : memref<200x32xf32, #tpu.memory_space<vmem>>) target(%dma_start3A_150 : memref<200x32xf32, #tpu.memory_space<vmem_shared>>) target_semaphore(%run_scoped3A : memref<!tpu.dma_semaphore, #tpu.memory_space<semaphore_mem>>)
        %dma_wait3A = arith.constant 0 : i32
        %dma_wait3A_151 = tpu.memref_slice %arg10[%mul3A_147, %dma_wait3A] : memref<10000x32xf32, #tpu.memory_space<vmem_shared>> -> memref<200x32xf32, #tpu.memory_space<vmem_shared>>
        %dma_wait3A_152 = arith.constant 0 : i32
        %dma_wait3A_153 = tpu.memref_slice %arg10[%mul3A_147, %dma_wait3A_152] : memref<10000x32xf32, #tpu.memory_space<vmem_shared>> -> memref<200x32xf32, #tpu.memory_space<vmem_shared>>
        tpu.wait_dma2 semaphore(%run_scoped3A : memref<!tpu.dma_semaphore, #tpu.memory_space<semaphore_mem>>) src(%arg9 : memref<200x32xf32, #tpu.memory_space<vmem>>) dst(%dma_wait3A_153 : memref<200x32xf32, #tpu.memory_space<vmem_shared>>)
        tpu.yield
      }) : () -> ()
    } else {
    }
    %barrier3A = arith.constant 0 : index
    tpu.barrier barrier_id(%barrier3A)
    %mul3A_33 = arith.constant 20000 : i32
    %mul3A_34 = arith.muli %arg1, %mul3A_33 : i32
    "tpu.region"() ({
      %run_scoped3A = tpu.sem_alloc : memref<!tpu.dma_semaphore, #tpu.memory_space<semaphore_mem>>
      %dma_start3A = tpu.memref_slice %arg3[%mul3A_34] : memref<320000xi32, #tpu.memory_space<hbm>> -> memref<80xi32, #tpu.memory_space<hbm>>
      %dma_start3A_146 = tpu.memref_slice %arg3[%mul3A_34] : memref<320000xi32, #tpu.memory_space<hbm>> -> memref<80xi32, #tpu.memory_space<hbm>>
      tpu.enqueue_dma source(%dma_start3A_146 : memref<80xi32, #tpu.memory_space<hbm>>) target(%arg5 : memref<80xi32, #tpu.memory_space<vmem>>) target_semaphore(%run_scoped3A : memref<!tpu.dma_semaphore, #tpu.memory_space<semaphore_mem>>)
      %dma_wait3A = tpu.memref_slice %arg3[%mul3A_34] : memref<320000xi32, #tpu.memory_space<hbm>> -> memref<80xi32, #tpu.memory_space<hbm>>
      %dma_wait3A_147 = tpu.memref_slice %arg3[%mul3A_34] : memref<320000xi32, #tpu.memory_space<hbm>> -> memref<80xi32, #tpu.memory_space<hbm>>
      tpu.wait_dma2 semaphore(%run_scoped3A : memref<!tpu.dma_semaphore, #tpu.memory_space<semaphore_mem>>) src(%dma_wait3A_147 : memref<80xi32, #tpu.memory_space<hbm>>) dst(%arg5 : memref<80xi32, #tpu.memory_space<vmem>>)
      tpu.yield
    }) : () -> ()
    %mul3A_35 = arith.constant 20000 : i32
    %mul3A_36 = arith.muli %arg1, %mul3A_35 : i32
    "tpu.region"() ({
      %run_scoped3A = tpu.sem_alloc : memref<!tpu.dma_semaphore, #tpu.memory_space<semaphore_mem>>
      %dma_start3A = arith.constant 0 : i32
      %dma_start3A_146 = tpu.memref_slice %arg2[%add3A_7, %mul3A_36, %dma_start3A] : memref<4x320000x32xf32, #tpu.memory_space<hbm>> -> memref<1x80x32xf32, #tpu.memory_space<hbm>>
      %dma_start3A_147 = tpu.memref_squeeze %dma_start3A_146 : memref<1x80x32xf32, #tpu.memory_space<hbm>> -> memref<80x32xf32, #tpu.memory_space<hbm>>
      %dma_start3A_148 = arith.constant 0 : i32
      %dma_start3A_149 = tpu.memref_slice %arg2[%add3A_7, %mul3A_36, %dma_start3A_148] : memref<4x320000x32xf32, #tpu.memory_space<hbm>> -> memref<1x80x32xf32, #tpu.memory_space<hbm>>
      %dma_start3A_150 = tpu.memref_squeeze %dma_start3A_149 : memref<1x80x32xf32, #tpu.memory_space<hbm>> -> memref<80x32xf32, #tpu.memory_space<hbm>>
      tpu.enqueue_dma source(%dma_start3A_150 : memref<80x32xf32, #tpu.memory_space<hbm>>) target(%arg7 : memref<80x32xf32, #tpu.memory_space<vmem>>) target_semaphore(%run_scoped3A : memref<!tpu.dma_semaphore, #tpu.memory_space<semaphore_mem>>)
      %dma_wait3A = arith.constant 0 : i32
      %dma_wait3A_151 = tpu.memref_slice %arg2[%add3A_7, %mul3A_36, %dma_wait3A] : memref<4x320000x32xf32, #tpu.memory_space<hbm>> -> memref<1x80x32xf32, #tpu.memory_space<hbm>>
      %dma_wait3A_152 = tpu.memref_squeeze %dma_wait3A_151 : memref<1x80x32xf32, #tpu.memory_space<hbm>> -> memref<80x32xf32, #tpu.memory_space<hbm>>
      %dma_wait3A_153 = arith.constant 0 : i32
      %dma_wait3A_154 = tpu.memref_slice %arg2[%add3A_7, %mul3A_36, %dma_wait3A_153] : memref<4x320000x32xf32, #tpu.memory_space<hbm>> -> memref<1x80x32xf32, #tpu.memory_space<hbm>>
      %dma_wait3A_155 = tpu.memref_squeeze %dma_wait3A_154 : memref<1x80x32xf32, #tpu.memory_space<hbm>> -> memref<80x32xf32, #tpu.memory_space<hbm>>
      tpu.wait_dma2 semaphore(%run_scoped3A : memref<!tpu.dma_semaphore, #tpu.memory_space<semaphore_mem>>) src(%dma_wait3A_155 : memref<80x32xf32, #tpu.memory_space<hbm>>) dst(%arg7 : memref<80x32xf32, #tpu.memory_space<vmem>>)
      tpu.yield
    }) : () -> ()
    %scan3A_37 = arith.constant 0 : i32
    %scan3A_38 = arith.constant 0 : i32
    %scan3A_39 = arith.constant 125 : i32
    %scan3A_40 = arith.addi %scan3A_38, %scan3A_39 : i32
    %scan3A_41 = arith.constant 1 : i32
    scf.for %scan3A_146 = %scan3A_38 to %scan3A_40 step %scan3A_41  : i32 {
      %mul3A_147 = arith.constant 20000 : i32
      %mul3A_148 = arith.muli %arg1, %mul3A_147 : i32
      %mul3A_149 = arith.constant 2 : i32
      %mul3A_150 = arith.muli %mul3A_149, %scan3A_146 : i32
      %add3A_151 = arith.constant 1 : i32
      %add3A_152 = arith.addi %mul3A_150, %add3A_151 : i32
      %mul3A_153 = arith.constant 80 : i32
      %mul3A_154 = arith.muli %add3A_152, %mul3A_153 : i32
      %add3A_155 = arith.addi %mul3A_148, %mul3A_154 : i32
      %mul3A_156 = arith.constant 20000 : i32
      %mul3A_157 = arith.muli %arg1, %mul3A_156 : i32
      %mul3A_158 = arith.constant 2 : i32
      %mul3A_159 = arith.muli %mul3A_158, %scan3A_146 : i32
      %add3A_160 = arith.constant 2 : i32
      %add3A_161 = arith.addi %mul3A_159, %add3A_160 : i32
      %min3A = arith.constant 249 : i32
      %min3A_162 = arith.minsi %add3A_161, %min3A : i32
      %mul3A_163 = arith.constant 80 : i32
      %mul3A_164 = arith.muli %min3A_162, %mul3A_163 : i32
      %add3A_165 = arith.addi %mul3A_157, %mul3A_164 : i32
      %dma_start3A = tpu.memref_slice %arg3[%add3A_155] : memref<320000xi32, #tpu.memory_space<hbm>> -> memref<80xi32, #tpu.memory_space<hbm>>
      %dma_start3A_166 = tpu.memref_slice %arg3[%add3A_155] : memref<320000xi32, #tpu.memory_space<hbm>> -> memref<80xi32, #tpu.memory_space<hbm>>
      tpu.enqueue_dma source(%dma_start3A_166 : memref<80xi32, #tpu.memory_space<hbm>>) target(%arg6 : memref<80xi32, #tpu.memory_space<vmem>>) target_semaphore(%arg13 : memref<!tpu.dma_semaphore, #tpu.memory_space<semaphore_mem>>)
      %dma_start3A_167 = arith.constant 0 : i32
      %dma_start3A_168 = tpu.memref_slice %arg2[%add3A_7, %add3A_155, %dma_start3A_167] : memref<4x320000x32xf32, #tpu.memory_space<hbm>> -> memref<1x80x32xf32, #tpu.memory_space<hbm>>
      %dma_start3A_169 = tpu.memref_squeeze %dma_start3A_168 : memref<1x80x32xf32, #tpu.memory_space<hbm>> -> memref<80x32xf32, #tpu.memory_space<hbm>>
      %dma_start3A_170 = arith.constant 0 : i32
      %dma_start3A_171 = tpu.memref_slice %arg2[%add3A_7, %add3A_155, %dma_start3A_170] : memref<4x320000x32xf32, #tpu.memory_space<hbm>> -> memref<1x80x32xf32, #tpu.memory_space<hbm>>
      %dma_start3A_172 = tpu.memref_squeeze %dma_start3A_171 : memref<1x80x32xf32, #tpu.memory_space<hbm>> -> memref<80x32xf32, #tpu.memory_space<hbm>>
      tpu.enqueue_dma source(%dma_start3A_172 : memref<80x32xf32, #tpu.memory_space<hbm>>) target(%arg8 : memref<80x32xf32, #tpu.memory_space<vmem>>) target_semaphore(%arg14 : memref<!tpu.dma_semaphore, #tpu.memory_space<semaphore_mem>>)
      "tpu.region"() ({
        %run_scoped3A = tpu.sem_alloc : memref<!tpu.dma_semaphore, #tpu.memory_space<semaphore_mem>>
        %dma_start3A_196 = arith.constant 0 : i32
        %dma_start3A_197 = arith.constant 0 : i32
        %dma_start3A_198 = tpu.memref_slice %arg10[%dma_start3A_196, %dma_start3A_197] : memref<10000x32xf32, #tpu.memory_space<vmem_shared>> -> memref<10000x32xf32, #tpu.memory_space<vmem_shared>>
        tpu.enqueue_indirect_dma source(%arg7 : memref<80x32xf32, #tpu.memory_space<vmem>>) target(%dma_start3A_198 : memref<10000x32xf32, #tpu.memory_space<vmem_shared>>) offsets(%arg5 : memref<80xi32, #tpu.memory_space<vmem>>) semaphore(%run_scoped3A : memref<!tpu.dma_semaphore, #tpu.memory_space<semaphore_mem>>) {add = true}
        %dma_wait3A_199 = arith.constant 0 : i32
        %dma_wait3A_200 = arith.constant 0 : i32
        %dma_wait3A_201 = tpu.memref_slice %arg10[%dma_wait3A_199, %dma_wait3A_200] : memref<10000x32xf32, #tpu.memory_space<vmem_shared>> -> memref<10000x32xf32, #tpu.memory_space<vmem_shared>>
        tpu.wait_indirect_dma semaphore(%run_scoped3A : memref<!tpu.dma_semaphore, #tpu.memory_space<semaphore_mem>>) src(%arg7 : memref<80x32xf32, #tpu.memory_space<vmem>>) dst(%dma_wait3A_201 : memref<10000x32xf32, #tpu.memory_space<vmem_shared>>)
        tpu.yield
      }) : () -> ()
      %dma_wait3A = tpu.memref_slice %arg3[%add3A_155] : memref<320000xi32, #tpu.memory_space<hbm>> -> memref<80xi32, #tpu.memory_space<hbm>>
      %dma_wait3A_173 = tpu.memref_slice %arg3[%add3A_155] : memref<320000xi32, #tpu.memory_space<hbm>> -> memref<80xi32, #tpu.memory_space<hbm>>
      tpu.wait_dma2 semaphore(%arg13 : memref<!tpu.dma_semaphore, #tpu.memory_space<semaphore_mem>>) src(%dma_wait3A_173 : memref<80xi32, #tpu.memory_space<hbm>>) dst(%arg6 : memref<80xi32, #tpu.memory_space<vmem>>)
      %dma_wait3A_174 = arith.constant 0 : i32
      %dma_wait3A_175 = tpu.memref_slice %arg2[%add3A_7, %add3A_155, %dma_wait3A_174] : memref<4x320000x32xf32, #tpu.memory_space<hbm>> -> memref<1x80x32xf32, #tpu.memory_space<hbm>>
      %dma_wait3A_176 = tpu.memref_squeeze %dma_wait3A_175 : memref<1x80x32xf32, #tpu.memory_space<hbm>> -> memref<80x32xf32, #tpu.memory_space<hbm>>
      %dma_wait3A_177 = arith.constant 0 : i32
      %dma_wait3A_178 = tpu.memref_slice %arg2[%add3A_7, %add3A_155, %dma_wait3A_177] : memref<4x320000x32xf32, #tpu.memory_space<hbm>> -> memref<1x80x32xf32, #tpu.memory_space<hbm>>
      %dma_wait3A_179 = tpu.memref_squeeze %dma_wait3A_178 : memref<1x80x32xf32, #tpu.memory_space<hbm>> -> memref<80x32xf32, #tpu.memory_space<hbm>>
      tpu.wait_dma2 semaphore(%arg14 : memref<!tpu.dma_semaphore, #tpu.memory_space<semaphore_mem>>) src(%dma_wait3A_179 : memref<80x32xf32, #tpu.memory_space<hbm>>) dst(%arg8 : memref<80x32xf32, #tpu.memory_space<vmem>>)
      %dma_start3A_180 = tpu.memref_slice %arg3[%add3A_165] : memref<320000xi32, #tpu.memory_space<hbm>> -> memref<80xi32, #tpu.memory_space<hbm>>
      %dma_start3A_181 = tpu.memref_slice %arg3[%add3A_165] : memref<320000xi32, #tpu.memory_space<hbm>> -> memref<80xi32, #tpu.memory_space<hbm>>
      tpu.enqueue_dma source(%dma_start3A_181 : memref<80xi32, #tpu.memory_space<hbm>>) target(%arg5 : memref<80xi32, #tpu.memory_space<vmem>>) target_semaphore(%arg11 : memref<!tpu.dma_semaphore, #tpu.memory_space<semaphore_mem>>)
      %dma_start3A_182 = arith.constant 0 : i32
      %dma_start3A_183 = tpu.memref_slice %arg2[%add3A_7, %add3A_165, %dma_start3A_182] : memref<4x320000x32xf32, #tpu.memory_space<hbm>> -> memref<1x80x32xf32, #tpu.memory_space<hbm>>
      %dma_start3A_184 = tpu.memref_squeeze %dma_start3A_183 : memref<1x80x32xf32, #tpu.memory_space<hbm>> -> memref<80x32xf32, #tpu.memory_space<hbm>>
      %dma_start3A_185 = arith.constant 0 : i32
      %dma_start3A_186 = tpu.memref_slice %arg2[%add3A_7, %add3A_165, %dma_start3A_185] : memref<4x320000x32xf32, #tpu.memory_space<hbm>> -> memref<1x80x32xf32, #tpu.memory_space<hbm>>
      %dma_start3A_187 = tpu.memref_squeeze %dma_start3A_186 : memref<1x80x32xf32, #tpu.memory_space<hbm>> -> memref<80x32xf32, #tpu.memory_space<hbm>>
      tpu.enqueue_dma source(%dma_start3A_187 : memref<80x32xf32, #tpu.memory_space<hbm>>) target(%arg7 : memref<80x32xf32, #tpu.memory_space<vmem>>) target_semaphore(%arg12 : memref<!tpu.dma_semaphore, #tpu.memory_space<semaphore_mem>>)
      "tpu.region"() ({
        %run_scoped3A = tpu.sem_alloc : memref<!tpu.dma_semaphore, #tpu.memory_space<semaphore_mem>>
        %dma_start3A_196 = arith.constant 0 : i32
        %dma_start3A_197 = arith.constant 0 : i32
        %dma_start3A_198 = tpu.memref_slice %arg10[%dma_start3A_196, %dma_start3A_197] : memref<10000x32xf32, #tpu.memory_space<vmem_shared>> -> memref<10000x32xf32, #tpu.memory_space<vmem_shared>>
        tpu.enqueue_indirect_dma source(%arg8 : memref<80x32xf32, #tpu.memory_space<vmem>>) target(%dma_start3A_198 : memref<10000x32xf32, #tpu.memory_space<vmem_shared>>) offsets(%arg6 : memref<80xi32, #tpu.memory_space<vmem>>) semaphore(%run_scoped3A : memref<!tpu.dma_semaphore, #tpu.memory_space<semaphore_mem>>) {add = true}
        %dma_wait3A_199 = arith.constant 0 : i32
        %dma_wait3A_200 = arith.constant 0 : i32
        %dma_wait3A_201 = tpu.memref_slice %arg10[%dma_wait3A_199, %dma_wait3A_200] : memref<10000x32xf32, #tpu.memory_space<vmem_shared>> -> memref<10000x32xf32, #tpu.memory_space<vmem_shared>>
        tpu.wait_indirect_dma semaphore(%run_scoped3A : memref<!tpu.dma_semaphore, #tpu.memory_space<semaphore_mem>>) src(%arg8 : memref<80x32xf32, #tpu.memory_space<vmem>>) dst(%dma_wait3A_201 : memref<10000x32xf32, #tpu.memory_space<vmem_shared>>)
        tpu.yield
      }) : () -> ()
      %dma_wait3A_188 = tpu.memref_slice %arg3[%add3A_165] : memref<320000xi32, #tpu.memory_space<hbm>> -> memref<80xi32, #tpu.memory_space<hbm>>
      %dma_wait3A_189 = tpu.memref_slice %arg3[%add3A_165] : memref<320000xi32, #tpu.memory_space<hbm>> -> memref<80xi32, #tpu.memory_space<hbm>>
      tpu.wait_dma2 semaphore(%arg11 : memref<!tpu.dma_semaphore, #tpu.memory_space<semaphore_mem>>) src(%dma_wait3A_189 : memref<80xi32, #tpu.memory_space<hbm>>) dst(%arg5 : memref<80xi32, #tpu.memory_space<vmem>>)
      %dma_wait3A_190 = arith.constant 0 : i32
      %dma_wait3A_191 = tpu.memref_slice %arg2[%add3A_7, %add3A_165, %dma_wait3A_190] : memref<4x320000x32xf32, #tpu.memory_space<hbm>> -> memref<1x80x32xf32, #tpu.memory_space<hbm>>
      %dma_wait3A_192 = tpu.memref_squeeze %dma_wait3A_191 : memref<1x80x32xf32, #tpu.memory_space<hbm>> -> memref<80x32xf32, #tpu.memory_space<hbm>>
      %dma_wait3A_193 = arith.constant 0 : i32
      %dma_wait3A_194 = tpu.memref_slice %arg2[%add3A_7, %add3A_165, %dma_wait3A_193] : memref<4x320000x32xf32, #tpu.memory_space<hbm>> -> memref<1x80x32xf32, #tpu.memory_space<hbm>>
      %dma_wait3A_195 = tpu.memref_squeeze %dma_wait3A_194 : memref<1x80x32xf32, #tpu.memory_space<hbm>> -> memref<80x32xf32, #tpu.memory_space<hbm>>
      tpu.wait_dma2 semaphore(%arg12 : memref<!tpu.dma_semaphore, #tpu.memory_space<semaphore_mem>>) src(%dma_wait3A_195 : memref<80x32xf32, #tpu.memory_space<hbm>>) dst(%arg7 : memref<80x32xf32, #tpu.memory_space<vmem>>)
    }
    %scan3A_42 = arith.constant 125 : i32
    %barrier3A_43 = arith.constant 0 : index
    tpu.barrier barrier_id(%barrier3A_43)
    %add3A_44 = arith.constant 0 : i32
    %add3A_45 = arith.addi %arg1, %add3A_44 : i32
    %lt3A_46 = arith.constant 50 : i32
    %lt3A_47 = arith.cmpi slt, %add3A_45, %lt3A_46 : i32
    %convert_element_type3A_48 = arith.extui %lt3A_47 : i1 to i32
    %cond3A_49 = arith.constant 0 : i32
    %cond3A_50 = arith.cmpi ne, %convert_element_type3A_48, %cond3A_49 : i32
    scf.if %cond3A_50 {
      %mul3A_146 = arith.constant 200 : i32
      %mul3A_147 = arith.muli %add3A_45, %mul3A_146 : i32
      "tpu.region"() ({
        %run_scoped3A = tpu.sem_alloc : memref<!tpu.dma_semaphore, #tpu.memory_space<semaphore_mem>>
        %dma_start3A = arith.constant 0 : i32
        %dma_start3A_148 = tpu.memref_slice %arg4[%add3A_7, %mul3A_147, %dma_start3A] : memref<4x10000x32xf32, #tpu.memory_space<hbm>> -> memref<1x200x32xf32, #tpu.memory_space<hbm>>
        %dma_start3A_149 = tpu.memref_squeeze %dma_start3A_148 : memref<1x200x32xf32, #tpu.memory_space<hbm>> -> memref<200x32xf32, #tpu.memory_space<hbm>>
        %dma_start3A_150 = arith.constant 0 : i32
        %dma_start3A_151 = tpu.memref_slice %arg10[%mul3A_147, %dma_start3A_150] : memref<10000x32xf32, #tpu.memory_space<vmem_shared>> -> memref<200x32xf32, #tpu.memory_space<vmem_shared>>
        tpu.enqueue_dma source(%dma_start3A_151 : memref<200x32xf32, #tpu.memory_space<vmem_shared>>) target(%dma_start3A_149 : memref<200x32xf32, #tpu.memory_space<hbm>>) target_semaphore(%run_scoped3A : memref<!tpu.dma_semaphore, #tpu.memory_space<semaphore_mem>>)
        %dma_wait3A = arith.constant 0 : i32
        %dma_wait3A_152 = tpu.memref_slice %arg4[%add3A_7, %mul3A_147, %dma_wait3A] : memref<4x10000x32xf32, #tpu.memory_space<hbm>> -> memref<1x200x32xf32, #tpu.memory_space<hbm>>
        %dma_wait3A_153 = tpu.memref_squeeze %dma_wait3A_152 : memref<1x200x32xf32, #tpu.memory_space<hbm>> -> memref<200x32xf32, #tpu.memory_space<hbm>>
        %dma_wait3A_154 = arith.constant 0 : i32
        %dma_wait3A_155 = tpu.memref_slice %arg10[%mul3A_147, %dma_wait3A_154] : memref<10000x32xf32, #tpu.memory_space<vmem_shared>> -> memref<200x32xf32, #tpu.memory_space<vmem_shared>>
        tpu.wait_dma2 semaphore(%run_scoped3A : memref<!tpu.dma_semaphore, #tpu.memory_space<semaphore_mem>>) src(%dma_wait3A_155 : memref<200x32xf32, #tpu.memory_space<vmem_shared>>) dst(%dma_wait3A_153 : memref<200x32xf32, #tpu.memory_space<hbm>>)
        tpu.yield
      }) : () -> ()
    } else {
    }
    %add3A_51 = arith.constant 16 : i32
    %add3A_52 = arith.addi %arg1, %add3A_51 : i32
    %lt3A_53 = arith.constant 50 : i32
    %lt3A_54 = arith.cmpi slt, %add3A_52, %lt3A_53 : i32
    %convert_element_type3A_55 = arith.extui %lt3A_54 : i1 to i32
    %cond3A_56 = arith.constant 0 : i32
    %cond3A_57 = arith.cmpi ne, %convert_element_type3A_55, %cond3A_56 : i32
    scf.if %cond3A_57 {
      %mul3A_146 = arith.constant 200 : i32
      %mul3A_147 = arith.muli %add3A_52, %mul3A_146 : i32
      "tpu.region"() ({
        %run_scoped3A = tpu.sem_alloc : memref<!tpu.dma_semaphore, #tpu.memory_space<semaphore_mem>>
        %dma_start3A = arith.constant 0 : i32
        %dma_start3A_148 = tpu.memref_slice %arg4[%add3A_7, %mul3A_147, %dma_start3A] : memref<4x10000x32xf32, #tpu.memory_space<hbm>> -> memref<1x200x32xf32, #tpu.memory_space<hbm>>
        %dma_start3A_149 = tpu.memref_squeeze %dma_start3A_148 : memref<1x200x32xf32, #tpu.memory_space<hbm>> -> memref<200x32xf32, #tpu.memory_space<hbm>>
        %dma_start3A_150 = arith.constant 0 : i32
        %dma_start3A_151 = tpu.memref_slice %arg10[%mul3A_147, %dma_start3A_150] : memref<10000x32xf32, #tpu.memory_space<vmem_shared>> -> memref<200x32xf32, #tpu.memory_space<vmem_shared>>
        tpu.enqueue_dma source(%dma_start3A_151 : memref<200x32xf32, #tpu.memory_space<vmem_shared>>) target(%dma_start3A_149 : memref<200x32xf32, #tpu.memory_space<hbm>>) target_semaphore(%run_scoped3A : memref<!tpu.dma_semaphore, #tpu.memory_space<semaphore_mem>>)
        %dma_wait3A = arith.constant 0 : i32
        %dma_wait3A_152 = tpu.memref_slice %arg4[%add3A_7, %mul3A_147, %dma_wait3A] : memref<4x10000x32xf32, #tpu.memory_space<hbm>> -> memref<1x200x32xf32, #tpu.memory_space<hbm>>
        %dma_wait3A_153 = tpu.memref_squeeze %dma_wait3A_152 : memref<1x200x32xf32, #tpu.memory_space<hbm>> -> memref<200x32xf32, #tpu.memory_space<hbm>>
        %dma_wait3A_154 = arith.constant 0 : i32
        %dma_wait3A_155 = tpu.memref_slice %arg10[%mul3A_147, %dma_wait3A_154] : memref<10000x32xf32, #tpu.memory_space<vmem_shared>> -> memref<200x32xf32, #tpu.memory_space<vmem_shared>>
        tpu.wait_dma2 semaphore(%run_scoped3A : memref<!tpu.dma_semaphore, #tpu.memory_space<semaphore_mem>>) src(%dma_wait3A_155 : memref<200x32xf32, #tpu.memory_space<vmem_shared>>) dst(%dma_wait3A_153 : memref<200x32xf32, #tpu.memory_space<hbm>>)
        tpu.yield
      }) : () -> ()
    } else {
    }
    %add3A_58 = arith.constant 32 : i32
    %add3A_59 = arith.addi %arg1, %add3A_58 : i32
    %lt3A_60 = arith.constant 50 : i32
    %lt3A_61 = arith.cmpi slt, %add3A_59, %lt3A_60 : i32
    %convert_element_type3A_62 = arith.extui %lt3A_61 : i1 to i32
    %cond3A_63 = arith.constant 0 : i32
    %cond3A_64 = arith.cmpi ne, %convert_element_type3A_62, %cond3A_63 : i32
    scf.if %cond3A_64 {
      %mul3A_146 = arith.constant 200 : i32
      %mul3A_147 = arith.muli %add3A_59, %mul3A_146 : i32
      "tpu.region"() ({
        %run_scoped3A = tpu.sem_alloc : memref<!tpu.dma_semaphore, #tpu.memory_space<semaphore_mem>>
        %dma_start3A = arith.constant 0 : i32
        %dma_start3A_148 = tpu.memref_slice %arg4[%add3A_7, %mul3A_147, %dma_start3A] : memref<4x10000x32xf32, #tpu.memory_space<hbm>> -> memref<1x200x32xf32, #tpu.memory_space<hbm>>
        %dma_start3A_149 = tpu.memref_squeeze %dma_start3A_148 : memref<1x200x32xf32, #tpu.memory_space<hbm>> -> memref<200x32xf32, #tpu.memory_space<hbm>>
        %dma_start3A_150 = arith.constant 0 : i32
        %dma_start3A_151 = tpu.memref_slice %arg10[%mul3A_147, %dma_start3A_150] : memref<10000x32xf32, #tpu.memory_space<vmem_shared>> -> memref<200x32xf32, #tpu.memory_space<vmem_shared>>
        tpu.enqueue_dma source(%dma_start3A_151 : memref<200x32xf32, #tpu.memory_space<vmem_shared>>) target(%dma_start3A_149 : memref<200x32xf32, #tpu.memory_space<hbm>>) target_semaphore(%run_scoped3A : memref<!tpu.dma_semaphore, #tpu.memory_space<semaphore_mem>>)
        %dma_wait3A = arith.constant 0 : i32
        %dma_wait3A_152 = tpu.memref_slice %arg4[%add3A_7, %mul3A_147, %dma_wait3A] : memref<4x10000x32xf32, #tpu.memory_space<hbm>> -> memref<1x200x32xf32, #tpu.memory_space<hbm>>
        %dma_wait3A_153 = tpu.memref_squeeze %dma_wait3A_152 : memref<1x200x32xf32, #tpu.memory_space<hbm>> -> memref<200x32xf32, #tpu.memory_space<hbm>>
        %dma_wait3A_154 = arith.constant 0 : i32
        %dma_wait3A_155 = tpu.memref_slice %arg10[%mul3A_147, %dma_wait3A_154] : memref<10000x32xf32, #tpu.memory_space<vmem_shared>> -> memref<200x32xf32, #tpu.memory_space<vmem_shared>>
        tpu.wait_dma2 semaphore(%run_scoped3A : memref<!tpu.dma_semaphore, #tpu.memory_space<semaphore_mem>>) src(%dma_wait3A_155 : memref<200x32xf32, #tpu.memory_space<vmem_shared>>) dst(%dma_wait3A_153 : memref<200x32xf32, #tpu.memory_space<hbm>>)
        tpu.yield
      }) : () -> ()
    } else {
    }
    %add3A_65 = arith.constant 48 : i32
    %add3A_66 = arith.addi %arg1, %add3A_65 : i32
    %lt3A_67 = arith.constant 50 : i32
    %lt3A_68 = arith.cmpi slt, %add3A_66, %lt3A_67 : i32
    %convert_element_type3A_69 = arith.extui %lt3A_68 : i1 to i32
    %cond3A_70 = arith.constant 0 : i32
    %cond3A_71 = arith.cmpi ne, %convert_element_type3A_69, %cond3A_70 : i32
    scf.if %cond3A_71 {
      %mul3A_146 = arith.constant 200 : i32
      %mul3A_147 = arith.muli %add3A_66, %mul3A_146 : i32
      "tpu.region"() ({
        %run_scoped3A = tpu.sem_alloc : memref<!tpu.dma_semaphore, #tpu.memory_space<semaphore_mem>>
        %dma_start3A = arith.constant 0 : i32
        %dma_start3A_148 = tpu.memref_slice %arg4[%add3A_7, %mul3A_147, %dma_start3A] : memref<4x10000x32xf32, #tpu.memory_space<hbm>> -> memref<1x200x32xf32, #tpu.memory_space<hbm>>
        %dma_start3A_149 = tpu.memref_squeeze %dma_start3A_148 : memref<1x200x32xf32, #tpu.memory_space<hbm>> -> memref<200x32xf32, #tpu.memory_space<hbm>>
        %dma_start3A_150 = arith.constant 0 : i32
        %dma_start3A_151 = tpu.memref_slice %arg10[%mul3A_147, %dma_start3A_150] : memref<10000x32xf32, #tpu.memory_space<vmem_shared>> -> memref<200x32xf32, #tpu.memory_space<vmem_shared>>
        tpu.enqueue_dma source(%dma_start3A_151 : memref<200x32xf32, #tpu.memory_space<vmem_shared>>) target(%dma_start3A_149 : memref<200x32xf32, #tpu.memory_space<hbm>>) target_semaphore(%run_scoped3A : memref<!tpu.dma_semaphore, #tpu.memory_space<semaphore_mem>>)
        %dma_wait3A = arith.constant 0 : i32
        %dma_wait3A_152 = tpu.memref_slice %arg4[%add3A_7, %mul3A_147, %dma_wait3A] : memref<4x10000x32xf32, #tpu.memory_space<hbm>> -> memref<1x200x32xf32, #tpu.memory_space<hbm>>
        %dma_wait3A_153 = tpu.memref_squeeze %dma_wait3A_152 : memref<1x200x32xf32, #tpu.memory_space<hbm>> -> memref<200x32xf32, #tpu.memory_space<hbm>>
        %dma_wait3A_154 = arith.constant 0 : i32
        %dma_wait3A_155 = tpu.memref_slice %arg10[%mul3A_147, %dma_wait3A_154] : memref<10000x32xf32, #tpu.memory_space<vmem_shared>> -> memref<200x32xf32, #tpu.memory_space<vmem_shared>>
        tpu.wait_dma2 semaphore(%run_scoped3A : memref<!tpu.dma_semaphore, #tpu.memory_space<semaphore_mem>>) src(%dma_wait3A_155 : memref<200x32xf32, #tpu.memory_space<vmem_shared>>) dst(%dma_wait3A_153 : memref<200x32xf32, #tpu.memory_space<hbm>>)
        tpu.yield
      }) : () -> ()
    } else {
    }
    %barrier3A_72 = arith.constant 0 : index
    tpu.barrier barrier_id(%barrier3A_72)
    %mul3A_73 = arith.constant 2 : i32
    %mul3A_74 = arith.muli %arg0, %mul3A_73 : i32
    %add3A_75 = arith.constant 1 : i32
    %add3A_76 = arith.addi %mul3A_74, %add3A_75 : i32
    %add3A_77 = arith.constant 0 : i32
    %add3A_78 = arith.addi %arg1, %add3A_77 : i32
    %lt3A_79 = arith.constant 50 : i32
    %lt3A_80 = arith.cmpi slt, %add3A_78, %lt3A_79 : i32
    %convert_element_type3A_81 = arith.extui %lt3A_80 : i1 to i32
    %cond3A_82 = arith.constant 0 : i32
    %cond3A_83 = arith.cmpi ne, %convert_element_type3A_81, %cond3A_82 : i32
    scf.if %cond3A_83 {
      %mul3A_146 = arith.constant 200 : i32
      %mul3A_147 = arith.muli %add3A_78, %mul3A_146 : i32
      "tpu.region"() ({
        %run_scoped3A = tpu.sem_alloc : memref<!tpu.dma_semaphore, #tpu.memory_space<semaphore_mem>>
        %dma_start3A = arith.constant 0 : i32
        %dma_start3A_148 = tpu.memref_slice %arg10[%mul3A_147, %dma_start3A] : memref<10000x32xf32, #tpu.memory_space<vmem_shared>> -> memref<200x32xf32, #tpu.memory_space<vmem_shared>>
        %dma_start3A_149 = arith.constant 0 : i32
        %dma_start3A_150 = tpu.memref_slice %arg10[%mul3A_147, %dma_start3A_149] : memref<10000x32xf32, #tpu.memory_space<vmem_shared>> -> memref<200x32xf32, #tpu.memory_space<vmem_shared>>
        tpu.enqueue_dma source(%arg9 : memref<200x32xf32, #tpu.memory_space<vmem>>) target(%dma_start3A_150 : memref<200x32xf32, #tpu.memory_space<vmem_shared>>) target_semaphore(%run_scoped3A : memref<!tpu.dma_semaphore, #tpu.memory_space<semaphore_mem>>)
        %dma_wait3A = arith.constant 0 : i32
        %dma_wait3A_151 = tpu.memref_slice %arg10[%mul3A_147, %dma_wait3A] : memref<10000x32xf32, #tpu.memory_space<vmem_shared>> -> memref<200x32xf32, #tpu.memory_space<vmem_shared>>
        %dma_wait3A_152 = arith.constant 0 : i32
        %dma_wait3A_153 = tpu.memref_slice %arg10[%mul3A_147, %dma_wait3A_152] : memref<10000x32xf32, #tpu.memory_space<vmem_shared>> -> memref<200x32xf32, #tpu.memory_space<vmem_shared>>
        tpu.wait_dma2 semaphore(%run_scoped3A : memref<!tpu.dma_semaphore, #tpu.memory_space<semaphore_mem>>) src(%arg9 : memref<200x32xf32, #tpu.memory_space<vmem>>) dst(%dma_wait3A_153 : memref<200x32xf32, #tpu.memory_space<vmem_shared>>)
        tpu.yield
      }) : () -> ()
    } else {
    }
    %add3A_84 = arith.constant 16 : i32
    %add3A_85 = arith.addi %arg1, %add3A_84 : i32
    %lt3A_86 = arith.constant 50 : i32
    %lt3A_87 = arith.cmpi slt, %add3A_85, %lt3A_86 : i32
    %convert_element_type3A_88 = arith.extui %lt3A_87 : i1 to i32
    %cond3A_89 = arith.constant 0 : i32
    %cond3A_90 = arith.cmpi ne, %convert_element_type3A_88, %cond3A_89 : i32
    scf.if %cond3A_90 {
      %mul3A_146 = arith.constant 200 : i32
      %mul3A_147 = arith.muli %add3A_85, %mul3A_146 : i32
      "tpu.region"() ({
        %run_scoped3A = tpu.sem_alloc : memref<!tpu.dma_semaphore, #tpu.memory_space<semaphore_mem>>
        %dma_start3A = arith.constant 0 : i32
        %dma_start3A_148 = tpu.memref_slice %arg10[%mul3A_147, %dma_start3A] : memref<10000x32xf32, #tpu.memory_space<vmem_shared>> -> memref<200x32xf32, #tpu.memory_space<vmem_shared>>
        %dma_start3A_149 = arith.constant 0 : i32
        %dma_start3A_150 = tpu.memref_slice %arg10[%mul3A_147, %dma_start3A_149] : memref<10000x32xf32, #tpu.memory_space<vmem_shared>> -> memref<200x32xf32, #tpu.memory_space<vmem_shared>>
        tpu.enqueue_dma source(%arg9 : memref<200x32xf32, #tpu.memory_space<vmem>>) target(%dma_start3A_150 : memref<200x32xf32, #tpu.memory_space<vmem_shared>>) target_semaphore(%run_scoped3A : memref<!tpu.dma_semaphore, #tpu.memory_space<semaphore_mem>>)
        %dma_wait3A = arith.constant 0 : i32
        %dma_wait3A_151 = tpu.memref_slice %arg10[%mul3A_147, %dma_wait3A] : memref<10000x32xf32, #tpu.memory_space<vmem_shared>> -> memref<200x32xf32, #tpu.memory_space<vmem_shared>>
        %dma_wait3A_152 = arith.constant 0 : i32
        %dma_wait3A_153 = tpu.memref_slice %arg10[%mul3A_147, %dma_wait3A_152] : memref<10000x32xf32, #tpu.memory_space<vmem_shared>> -> memref<200x32xf32, #tpu.memory_space<vmem_shared>>
        tpu.wait_dma2 semaphore(%run_scoped3A : memref<!tpu.dma_semaphore, #tpu.memory_space<semaphore_mem>>) src(%arg9 : memref<200x32xf32, #tpu.memory_space<vmem>>) dst(%dma_wait3A_153 : memref<200x32xf32, #tpu.memory_space<vmem_shared>>)
        tpu.yield
      }) : () -> ()
    } else {
    }
    %add3A_91 = arith.constant 32 : i32
    %add3A_92 = arith.addi %arg1, %add3A_91 : i32
    %lt3A_93 = arith.constant 50 : i32
    %lt3A_94 = arith.cmpi slt, %add3A_92, %lt3A_93 : i32
    %convert_element_type3A_95 = arith.extui %lt3A_94 : i1 to i32
    %cond3A_96 = arith.constant 0 : i32
    %cond3A_97 = arith.cmpi ne, %convert_element_type3A_95, %cond3A_96 : i32
    scf.if %cond3A_97 {
      %mul3A_146 = arith.constant 200 : i32
      %mul3A_147 = arith.muli %add3A_92, %mul3A_146 : i32
      "tpu.region"() ({
        %run_scoped3A = tpu.sem_alloc : memref<!tpu.dma_semaphore, #tpu.memory_space<semaphore_mem>>
        %dma_start3A = arith.constant 0 : i32
        %dma_start3A_148 = tpu.memref_slice %arg10[%mul3A_147, %dma_start3A] : memref<10000x32xf32, #tpu.memory_space<vmem_shared>> -> memref<200x32xf32, #tpu.memory_space<vmem_shared>>
        %dma_start3A_149 = arith.constant 0 : i32
        %dma_start3A_150 = tpu.memref_slice %arg10[%mul3A_147, %dma_start3A_149] : memref<10000x32xf32, #tpu.memory_space<vmem_shared>> -> memref<200x32xf32, #tpu.memory_space<vmem_shared>>
        tpu.enqueue_dma source(%arg9 : memref<200x32xf32, #tpu.memory_space<vmem>>) target(%dma_start3A_150 : memref<200x32xf32, #tpu.memory_space<vmem_shared>>) target_semaphore(%run_scoped3A : memref<!tpu.dma_semaphore, #tpu.memory_space<semaphore_mem>>)
        %dma_wait3A = arith.constant 0 : i32
        %dma_wait3A_151 = tpu.memref_slice %arg10[%mul3A_147, %dma_wait3A] : memref<10000x32xf32, #tpu.memory_space<vmem_shared>> -> memref<200x32xf32, #tpu.memory_space<vmem_shared>>
        %dma_wait3A_152 = arith.constant 0 : i32
        %dma_wait3A_153 = tpu.memref_slice %arg10[%mul3A_147, %dma_wait3A_152] : memref<10000x32xf32, #tpu.memory_space<vmem_shared>> -> memref<200x32xf32, #tpu.memory_space<vmem_shared>>
        tpu.wait_dma2 semaphore(%run_scoped3A : memref<!tpu.dma_semaphore, #tpu.memory_space<semaphore_mem>>) src(%arg9 : memref<200x32xf32, #tpu.memory_space<vmem>>) dst(%dma_wait3A_153 : memref<200x32xf32, #tpu.memory_space<vmem_shared>>)
        tpu.yield
      }) : () -> ()
    } else {
    }
    %add3A_98 = arith.constant 48 : i32
    %add3A_99 = arith.addi %arg1, %add3A_98 : i32
    %lt3A_100 = arith.constant 50 : i32
    %lt3A_101 = arith.cmpi slt, %add3A_99, %lt3A_100 : i32
    %convert_element_type3A_102 = arith.extui %lt3A_101 : i1 to i32
    %cond3A_103 = arith.constant 0 : i32
    %cond3A_104 = arith.cmpi ne, %convert_element_type3A_102, %cond3A_103 : i32
    scf.if %cond3A_104 {
      %mul3A_146 = arith.constant 200 : i32
      %mul3A_147 = arith.muli %add3A_99, %mul3A_146 : i32
      "tpu.region"() ({
        %run_scoped3A = tpu.sem_alloc : memref<!tpu.dma_semaphore, #tpu.memory_space<semaphore_mem>>
        %dma_start3A = arith.constant 0 : i32
        %dma_start3A_148 = tpu.memref_slice %arg10[%mul3A_147, %dma_start3A] : memref<10000x32xf32, #tpu.memory_space<vmem_shared>> -> memref<200x32xf32, #tpu.memory_space<vmem_shared>>
        %dma_start3A_149 = arith.constant 0 : i32
        %dma_start3A_150 = tpu.memref_slice %arg10[%mul3A_147, %dma_start3A_149] : memref<10000x32xf32, #tpu.memory_space<vmem_shared>> -> memref<200x32xf32, #tpu.memory_space<vmem_shared>>
        tpu.enqueue_dma source(%arg9 : memref<200x32xf32, #tpu.memory_space<vmem>>) target(%dma_start3A_150 : memref<200x32xf32, #tpu.memory_space<vmem_shared>>) target_semaphore(%run_scoped3A : memref<!tpu.dma_semaphore, #tpu.memory_space<semaphore_mem>>)
        %dma_wait3A = arith.constant 0 : i32
        %dma_wait3A_151 = tpu.memref_slice %arg10[%mul3A_147, %dma_wait3A] : memref<10000x32xf32, #tpu.memory_space<vmem_shared>> -> memref<200x32xf32, #tpu.memory_space<vmem_shared>>
        %dma_wait3A_152 = arith.constant 0 : i32
        %dma_wait3A_153 = tpu.memref_slice %arg10[%mul3A_147, %dma_wait3A_152] : memref<10000x32xf32, #tpu.memory_space<vmem_shared>> -> memref<200x32xf32, #tpu.memory_space<vmem_shared>>
        tpu.wait_dma2 semaphore(%run_scoped3A : memref<!tpu.dma_semaphore, #tpu.memory_space<semaphore_mem>>) src(%arg9 : memref<200x32xf32, #tpu.memory_space<vmem>>) dst(%dma_wait3A_153 : memref<200x32xf32, #tpu.memory_space<vmem_shared>>)
        tpu.yield
      }) : () -> ()
    } else {
    }
    %barrier3A_105 = arith.constant 0 : index
    tpu.barrier barrier_id(%barrier3A_105)
    %mul3A_106 = arith.constant 20000 : i32
    %mul3A_107 = arith.muli %arg1, %mul3A_106 : i32
    "tpu.region"() ({
      %run_scoped3A = tpu.sem_alloc : memref<!tpu.dma_semaphore, #tpu.memory_space<semaphore_mem>>
      %dma_start3A = tpu.memref_slice %arg3[%mul3A_107] : memref<320000xi32, #tpu.memory_space<hbm>> -> memref<80xi32, #tpu.memory_space<hbm>>
      %dma_start3A_146 = tpu.memref_slice %arg3[%mul3A_107] : memref<320000xi32, #tpu.memory_space<hbm>> -> memref<80xi32, #tpu.memory_space<hbm>>
      tpu.enqueue_dma source(%dma_start3A_146 : memref<80xi32, #tpu.memory_space<hbm>>) target(%arg5 : memref<80xi32, #tpu.memory_space<vmem>>) target_semaphore(%run_scoped3A : memref<!tpu.dma_semaphore, #tpu.memory_space<semaphore_mem>>)
      %dma_wait3A = tpu.memref_slice %arg3[%mul3A_107] : memref<320000xi32, #tpu.memory_space<hbm>> -> memref<80xi32, #tpu.memory_space<hbm>>
      %dma_wait3A_147 = tpu.memref_slice %arg3[%mul3A_107] : memref<320000xi32, #tpu.memory_space<hbm>> -> memref<80xi32, #tpu.memory_space<hbm>>
      tpu.wait_dma2 semaphore(%run_scoped3A : memref<!tpu.dma_semaphore, #tpu.memory_space<semaphore_mem>>) src(%dma_wait3A_147 : memref<80xi32, #tpu.memory_space<hbm>>) dst(%arg5 : memref<80xi32, #tpu.memory_space<vmem>>)
      tpu.yield
    }) : () -> ()
    %mul3A_108 = arith.constant 20000 : i32
    %mul3A_109 = arith.muli %arg1, %mul3A_108 : i32
    "tpu.region"() ({
      %run_scoped3A = tpu.sem_alloc : memref<!tpu.dma_semaphore, #tpu.memory_space<semaphore_mem>>
      %dma_start3A = arith.constant 0 : i32
      %dma_start3A_146 = tpu.memref_slice %arg2[%add3A_76, %mul3A_109, %dma_start3A] : memref<4x320000x32xf32, #tpu.memory_space<hbm>> -> memref<1x80x32xf32, #tpu.memory_space<hbm>>
      %dma_start3A_147 = tpu.memref_squeeze %dma_start3A_146 : memref<1x80x32xf32, #tpu.memory_space<hbm>> -> memref<80x32xf32, #tpu.memory_space<hbm>>
      %dma_start3A_148 = arith.constant 0 : i32
      %dma_start3A_149 = tpu.memref_slice %arg2[%add3A_76, %mul3A_109, %dma_start3A_148] : memref<4x320000x32xf32, #tpu.memory_space<hbm>> -> memref<1x80x32xf32, #tpu.memory_space<hbm>>
      %dma_start3A_150 = tpu.memref_squeeze %dma_start3A_149 : memref<1x80x32xf32, #tpu.memory_space<hbm>> -> memref<80x32xf32, #tpu.memory_space<hbm>>
      tpu.enqueue_dma source(%dma_start3A_150 : memref<80x32xf32, #tpu.memory_space<hbm>>) target(%arg7 : memref<80x32xf32, #tpu.memory_space<vmem>>) target_semaphore(%run_scoped3A : memref<!tpu.dma_semaphore, #tpu.memory_space<semaphore_mem>>)
      %dma_wait3A = arith.constant 0 : i32
      %dma_wait3A_151 = tpu.memref_slice %arg2[%add3A_76, %mul3A_109, %dma_wait3A] : memref<4x320000x32xf32, #tpu.memory_space<hbm>> -> memref<1x80x32xf32, #tpu.memory_space<hbm>>
      %dma_wait3A_152 = tpu.memref_squeeze %dma_wait3A_151 : memref<1x80x32xf32, #tpu.memory_space<hbm>> -> memref<80x32xf32, #tpu.memory_space<hbm>>
      %dma_wait3A_153 = arith.constant 0 : i32
      %dma_wait3A_154 = tpu.memref_slice %arg2[%add3A_76, %mul3A_109, %dma_wait3A_153] : memref<4x320000x32xf32, #tpu.memory_space<hbm>> -> memref<1x80x32xf32, #tpu.memory_space<hbm>>
      %dma_wait3A_155 = tpu.memref_squeeze %dma_wait3A_154 : memref<1x80x32xf32, #tpu.memory_space<hbm>> -> memref<80x32xf32, #tpu.memory_space<hbm>>
      tpu.wait_dma2 semaphore(%run_scoped3A : memref<!tpu.dma_semaphore, #tpu.memory_space<semaphore_mem>>) src(%dma_wait3A_155 : memref<80x32xf32, #tpu.memory_space<hbm>>) dst(%arg7 : memref<80x32xf32, #tpu.memory_space<vmem>>)
      tpu.yield
    }) : () -> ()
    %scan3A_110 = arith.constant 0 : i32
    %scan3A_111 = arith.constant 0 : i32
    %scan3A_112 = arith.constant 125 : i32
    %scan3A_113 = arith.addi %scan3A_111, %scan3A_112 : i32
    %scan3A_114 = arith.constant 1 : i32
    scf.for %scan3A_146 = %scan3A_111 to %scan3A_113 step %scan3A_114  : i32 {
      %mul3A_147 = arith.constant 20000 : i32
      %mul3A_148 = arith.muli %arg1, %mul3A_147 : i32
      %mul3A_149 = arith.constant 2 : i32
      %mul3A_150 = arith.muli %mul3A_149, %scan3A_146 : i32
      %add3A_151 = arith.constant 1 : i32
      %add3A_152 = arith.addi %mul3A_150, %add3A_151 : i32
      %mul3A_153 = arith.constant 80 : i32
      %mul3A_154 = arith.muli %add3A_152, %mul3A_153 : i32
      %add3A_155 = arith.addi %mul3A_148, %mul3A_154 : i32
      %mul3A_156 = arith.constant 20000 : i32
      %mul3A_157 = arith.muli %arg1, %mul3A_156 : i32
      %mul3A_158 = arith.constant 2 : i32
      %mul3A_159 = arith.muli %mul3A_158, %scan3A_146 : i32
      %add3A_160 = arith.constant 2 : i32
      %add3A_161 = arith.addi %mul3A_159, %add3A_160 : i32
      %min3A = arith.constant 249 : i32
      %min3A_162 = arith.minsi %add3A_161, %min3A : i32
      %mul3A_163 = arith.constant 80 : i32
      %mul3A_164 = arith.muli %min3A_162, %mul3A_163 : i32
      %add3A_165 = arith.addi %mul3A_157, %mul3A_164 : i32
      %dma_start3A = tpu.memref_slice %arg3[%add3A_155] : memref<320000xi32, #tpu.memory_space<hbm>> -> memref<80xi32, #tpu.memory_space<hbm>>
      %dma_start3A_166 = tpu.memref_slice %arg3[%add3A_155] : memref<320000xi32, #tpu.memory_space<hbm>> -> memref<80xi32, #tpu.memory_space<hbm>>
      tpu.enqueue_dma source(%dma_start3A_166 : memref<80xi32, #tpu.memory_space<hbm>>) target(%arg6 : memref<80xi32, #tpu.memory_space<vmem>>) target_semaphore(%arg13 : memref<!tpu.dma_semaphore, #tpu.memory_space<semaphore_mem>>)
      %dma_start3A_167 = arith.constant 0 : i32
      %dma_start3A_168 = tpu.memref_slice %arg2[%add3A_76, %add3A_155, %dma_start3A_167] : memref<4x320000x32xf32, #tpu.memory_space<hbm>> -> memref<1x80x32xf32, #tpu.memory_space<hbm>>
      %dma_start3A_169 = tpu.memref_squeeze %dma_start3A_168 : memref<1x80x32xf32, #tpu.memory_space<hbm>> -> memref<80x32xf32, #tpu.memory_space<hbm>>
      %dma_start3A_170 = arith.constant 0 : i32
      %dma_start3A_171 = tpu.memref_slice %arg2[%add3A_76, %add3A_155, %dma_start3A_170] : memref<4x320000x32xf32, #tpu.memory_space<hbm>> -> memref<1x80x32xf32, #tpu.memory_space<hbm>>
      %dma_start3A_172 = tpu.memref_squeeze %dma_start3A_171 : memref<1x80x32xf32, #tpu.memory_space<hbm>> -> memref<80x32xf32, #tpu.memory_space<hbm>>
      tpu.enqueue_dma source(%dma_start3A_172 : memref<80x32xf32, #tpu.memory_space<hbm>>) target(%arg8 : memref<80x32xf32, #tpu.memory_space<vmem>>) target_semaphore(%arg14 : memref<!tpu.dma_semaphore, #tpu.memory_space<semaphore_mem>>)
      "tpu.region"() ({
        %run_scoped3A = tpu.sem_alloc : memref<!tpu.dma_semaphore, #tpu.memory_space<semaphore_mem>>
        %dma_start3A_196 = arith.constant 0 : i32
        %dma_start3A_197 = arith.constant 0 : i32
        %dma_start3A_198 = tpu.memref_slice %arg10[%dma_start3A_196, %dma_start3A_197] : memref<10000x32xf32, #tpu.memory_space<vmem_shared>> -> memref<10000x32xf32, #tpu.memory_space<vmem_shared>>
        tpu.enqueue_indirect_dma source(%arg7 : memref<80x32xf32, #tpu.memory_space<vmem>>) target(%dma_start3A_198 : memref<10000x32xf32, #tpu.memory_space<vmem_shared>>) offsets(%arg5 : memref<80xi32, #tpu.memory_space<vmem>>) semaphore(%run_scoped3A : memref<!tpu.dma_semaphore, #tpu.memory_space<semaphore_mem>>) {add = true}
        %dma_wait3A_199 = arith.constant 0 : i32
        %dma_wait3A_200 = arith.constant 0 : i32
        %dma_wait3A_201 = tpu.memref_slice %arg10[%dma_wait3A_199, %dma_wait3A_200] : memref<10000x32xf32, #tpu.memory_space<vmem_shared>> -> memref<10000x32xf32, #tpu.memory_space<vmem_shared>>
        tpu.wait_indirect_dma semaphore(%run_scoped3A : memref<!tpu.dma_semaphore, #tpu.memory_space<semaphore_mem>>) src(%arg7 : memref<80x32xf32, #tpu.memory_space<vmem>>) dst(%dma_wait3A_201 : memref<10000x32xf32, #tpu.memory_space<vmem_shared>>)
        tpu.yield
      }) : () -> ()
      %dma_wait3A = tpu.memref_slice %arg3[%add3A_155] : memref<320000xi32, #tpu.memory_space<hbm>> -> memref<80xi32, #tpu.memory_space<hbm>>
      %dma_wait3A_173 = tpu.memref_slice %arg3[%add3A_155] : memref<320000xi32, #tpu.memory_space<hbm>> -> memref<80xi32, #tpu.memory_space<hbm>>
      tpu.wait_dma2 semaphore(%arg13 : memref<!tpu.dma_semaphore, #tpu.memory_space<semaphore_mem>>) src(%dma_wait3A_173 : memref<80xi32, #tpu.memory_space<hbm>>) dst(%arg6 : memref<80xi32, #tpu.memory_space<vmem>>)
      %dma_wait3A_174 = arith.constant 0 : i32
      %dma_wait3A_175 = tpu.memref_slice %arg2[%add3A_76, %add3A_155, %dma_wait3A_174] : memref<4x320000x32xf32, #tpu.memory_space<hbm>> -> memref<1x80x32xf32, #tpu.memory_space<hbm>>
      %dma_wait3A_176 = tpu.memref_squeeze %dma_wait3A_175 : memref<1x80x32xf32, #tpu.memory_space<hbm>> -> memref<80x32xf32, #tpu.memory_space<hbm>>
      %dma_wait3A_177 = arith.constant 0 : i32
      %dma_wait3A_178 = tpu.memref_slice %arg2[%add3A_76, %add3A_155, %dma_wait3A_177] : memref<4x320000x32xf32, #tpu.memory_space<hbm>> -> memref<1x80x32xf32, #tpu.memory_space<hbm>>
      %dma_wait3A_179 = tpu.memref_squeeze %dma_wait3A_178 : memref<1x80x32xf32, #tpu.memory_space<hbm>> -> memref<80x32xf32, #tpu.memory_space<hbm>>
      tpu.wait_dma2 semaphore(%arg14 : memref<!tpu.dma_semaphore, #tpu.memory_space<semaphore_mem>>) src(%dma_wait3A_179 : memref<80x32xf32, #tpu.memory_space<hbm>>) dst(%arg8 : memref<80x32xf32, #tpu.memory_space<vmem>>)
      %dma_start3A_180 = tpu.memref_slice %arg3[%add3A_165] : memref<320000xi32, #tpu.memory_space<hbm>> -> memref<80xi32, #tpu.memory_space<hbm>>
      %dma_start3A_181 = tpu.memref_slice %arg3[%add3A_165] : memref<320000xi32, #tpu.memory_space<hbm>> -> memref<80xi32, #tpu.memory_space<hbm>>
      tpu.enqueue_dma source(%dma_start3A_181 : memref<80xi32, #tpu.memory_space<hbm>>) target(%arg5 : memref<80xi32, #tpu.memory_space<vmem>>) target_semaphore(%arg11 : memref<!tpu.dma_semaphore, #tpu.memory_space<semaphore_mem>>)
      %dma_start3A_182 = arith.constant 0 : i32
      %dma_start3A_183 = tpu.memref_slice %arg2[%add3A_76, %add3A_165, %dma_start3A_182] : memref<4x320000x32xf32, #tpu.memory_space<hbm>> -> memref<1x80x32xf32, #tpu.memory_space<hbm>>
      %dma_start3A_184 = tpu.memref_squeeze %dma_start3A_183 : memref<1x80x32xf32, #tpu.memory_space<hbm>> -> memref<80x32xf32, #tpu.memory_space<hbm>>
      %dma_start3A_185 = arith.constant 0 : i32
      %dma_start3A_186 = tpu.memref_slice %arg2[%add3A_76, %add3A_165, %dma_start3A_185] : memref<4x320000x32xf32, #tpu.memory_space<hbm>> -> memref<1x80x32xf32, #tpu.memory_space<hbm>>
      %dma_start3A_187 = tpu.memref_squeeze %dma_start3A_186 : memref<1x80x32xf32, #tpu.memory_space<hbm>> -> memref<80x32xf32, #tpu.memory_space<hbm>>
      tpu.enqueue_dma source(%dma_start3A_187 : memref<80x32xf32, #tpu.memory_space<hbm>>) target(%arg7 : memref<80x32xf32, #tpu.memory_space<vmem>>) target_semaphore(%arg12 : memref<!tpu.dma_semaphore, #tpu.memory_space<semaphore_mem>>)
      "tpu.region"() ({
        %run_scoped3A = tpu.sem_alloc : memref<!tpu.dma_semaphore, #tpu.memory_space<semaphore_mem>>
        %dma_start3A_196 = arith.constant 0 : i32
        %dma_start3A_197 = arith.constant 0 : i32
        %dma_start3A_198 = tpu.memref_slice %arg10[%dma_start3A_196, %dma_start3A_197] : memref<10000x32xf32, #tpu.memory_space<vmem_shared>> -> memref<10000x32xf32, #tpu.memory_space<vmem_shared>>
        tpu.enqueue_indirect_dma source(%arg8 : memref<80x32xf32, #tpu.memory_space<vmem>>) target(%dma_start3A_198 : memref<10000x32xf32, #tpu.memory_space<vmem_shared>>) offsets(%arg6 : memref<80xi32, #tpu.memory_space<vmem>>) semaphore(%run_scoped3A : memref<!tpu.dma_semaphore, #tpu.memory_space<semaphore_mem>>) {add = true}
        %dma_wait3A_199 = arith.constant 0 : i32
        %dma_wait3A_200 = arith.constant 0 : i32
        %dma_wait3A_201 = tpu.memref_slice %arg10[%dma_wait3A_199, %dma_wait3A_200] : memref<10000x32xf32, #tpu.memory_space<vmem_shared>> -> memref<10000x32xf32, #tpu.memory_space<vmem_shared>>
        tpu.wait_indirect_dma semaphore(%run_scoped3A : memref<!tpu.dma_semaphore, #tpu.memory_space<semaphore_mem>>) src(%arg8 : memref<80x32xf32, #tpu.memory_space<vmem>>) dst(%dma_wait3A_201 : memref<10000x32xf32, #tpu.memory_space<vmem_shared>>)
        tpu.yield
      }) : () -> ()
      %dma_wait3A_188 = tpu.memref_slice %arg3[%add3A_165] : memref<320000xi32, #tpu.memory_space<hbm>> -> memref<80xi32, #tpu.memory_space<hbm>>
      %dma_wait3A_189 = tpu.memref_slice %arg3[%add3A_165] : memref<320000xi32, #tpu.memory_space<hbm>> -> memref<80xi32, #tpu.memory_space<hbm>>
      tpu.wait_dma2 semaphore(%arg11 : memref<!tpu.dma_semaphore, #tpu.memory_space<semaphore_mem>>) src(%dma_wait3A_189 : memref<80xi32, #tpu.memory_space<hbm>>) dst(%arg5 : memref<80xi32, #tpu.memory_space<vmem>>)
      %dma_wait3A_190 = arith.constant 0 : i32
      %dma_wait3A_191 = tpu.memref_slice %arg2[%add3A_76, %add3A_165, %dma_wait3A_190] : memref<4x320000x32xf32, #tpu.memory_space<hbm>> -> memref<1x80x32xf32, #tpu.memory_space<hbm>>
      %dma_wait3A_192 = tpu.memref_squeeze %dma_wait3A_191 : memref<1x80x32xf32, #tpu.memory_space<hbm>> -> memref<80x32xf32, #tpu.memory_space<hbm>>
      %dma_wait3A_193 = arith.constant 0 : i32
      %dma_wait3A_194 = tpu.memref_slice %arg2[%add3A_76, %add3A_165, %dma_wait3A_193] : memref<4x320000x32xf32, #tpu.memory_space<hbm>> -> memref<1x80x32xf32, #tpu.memory_space<hbm>>
      %dma_wait3A_195 = tpu.memref_squeeze %dma_wait3A_194 : memref<1x80x32xf32, #tpu.memory_space<hbm>> -> memref<80x32xf32, #tpu.memory_space<hbm>>
      tpu.wait_dma2 semaphore(%arg12 : memref<!tpu.dma_semaphore, #tpu.memory_space<semaphore_mem>>) src(%dma_wait3A_195 : memref<80x32xf32, #tpu.memory_space<hbm>>) dst(%arg7 : memref<80x32xf32, #tpu.memory_space<vmem>>)
    }
    %scan3A_115 = arith.constant 125 : i32
    %barrier3A_116 = arith.constant 0 : index
    tpu.barrier barrier_id(%barrier3A_116)
    %add3A_117 = arith.constant 0 : i32
    %add3A_118 = arith.addi %arg1, %add3A_117 : i32
    %lt3A_119 = arith.constant 50 : i32
    %lt3A_120 = arith.cmpi slt, %add3A_118, %lt3A_119 : i32
    %convert_element_type3A_121 = arith.extui %lt3A_120 : i1 to i32
    %cond3A_122 = arith.constant 0 : i32
    %cond3A_123 = arith.cmpi ne, %convert_element_type3A_121, %cond3A_122 : i32
    scf.if %cond3A_123 {
      %mul3A_146 = arith.constant 200 : i32
      %mul3A_147 = arith.muli %add3A_118, %mul3A_146 : i32
      "tpu.region"() ({
        %run_scoped3A = tpu.sem_alloc : memref<!tpu.dma_semaphore, #tpu.memory_space<semaphore_mem>>
        %dma_start3A = arith.constant 0 : i32
        %dma_start3A_148 = tpu.memref_slice %arg4[%add3A_76, %mul3A_147, %dma_start3A] : memref<4x10000x32xf32, #tpu.memory_space<hbm>> -> memref<1x200x32xf32, #tpu.memory_space<hbm>>
        %dma_start3A_149 = tpu.memref_squeeze %dma_start3A_148 : memref<1x200x32xf32, #tpu.memory_space<hbm>> -> memref<200x32xf32, #tpu.memory_space<hbm>>
        %dma_start3A_150 = arith.constant 0 : i32
        %dma_start3A_151 = tpu.memref_slice %arg10[%mul3A_147, %dma_start3A_150] : memref<10000x32xf32, #tpu.memory_space<vmem_shared>> -> memref<200x32xf32, #tpu.memory_space<vmem_shared>>
        tpu.enqueue_dma source(%dma_start3A_151 : memref<200x32xf32, #tpu.memory_space<vmem_shared>>) target(%dma_start3A_149 : memref<200x32xf32, #tpu.memory_space<hbm>>) target_semaphore(%run_scoped3A : memref<!tpu.dma_semaphore, #tpu.memory_space<semaphore_mem>>)
        %dma_wait3A = arith.constant 0 : i32
        %dma_wait3A_152 = tpu.memref_slice %arg4[%add3A_76, %mul3A_147, %dma_wait3A] : memref<4x10000x32xf32, #tpu.memory_space<hbm>> -> memref<1x200x32xf32, #tpu.memory_space<hbm>>
        %dma_wait3A_153 = tpu.memref_squeeze %dma_wait3A_152 : memref<1x200x32xf32, #tpu.memory_space<hbm>> -> memref<200x32xf32, #tpu.memory_space<hbm>>
        %dma_wait3A_154 = arith.constant 0 : i32
        %dma_wait3A_155 = tpu.memref_slice %arg10[%mul3A_147, %dma_wait3A_154] : memref<10000x32xf32, #tpu.memory_space<vmem_shared>> -> memref<200x32xf32, #tpu.memory_space<vmem_shared>>
        tpu.wait_dma2 semaphore(%run_scoped3A : memref<!tpu.dma_semaphore, #tpu.memory_space<semaphore_mem>>) src(%dma_wait3A_155 : memref<200x32xf32, #tpu.memory_space<vmem_shared>>) dst(%dma_wait3A_153 : memref<200x32xf32, #tpu.memory_space<hbm>>)
        tpu.yield
      }) : () -> ()
    } else {
    }
    %add3A_124 = arith.constant 16 : i32
    %add3A_125 = arith.addi %arg1, %add3A_124 : i32
    %lt3A_126 = arith.constant 50 : i32
    %lt3A_127 = arith.cmpi slt, %add3A_125, %lt3A_126 : i32
    %convert_element_type3A_128 = arith.extui %lt3A_127 : i1 to i32
    %cond3A_129 = arith.constant 0 : i32
    %cond3A_130 = arith.cmpi ne, %convert_element_type3A_128, %cond3A_129 : i32
    scf.if %cond3A_130 {
      %mul3A_146 = arith.constant 200 : i32
      %mul3A_147 = arith.muli %add3A_125, %mul3A_146 : i32
      "tpu.region"() ({
        %run_scoped3A = tpu.sem_alloc : memref<!tpu.dma_semaphore, #tpu.memory_space<semaphore_mem>>
        %dma_start3A = arith.constant 0 : i32
        %dma_start3A_148 = tpu.memref_slice %arg4[%add3A_76, %mul3A_147, %dma_start3A] : memref<4x10000x32xf32, #tpu.memory_space<hbm>> -> memref<1x200x32xf32, #tpu.memory_space<hbm>>
        %dma_start3A_149 = tpu.memref_squeeze %dma_start3A_148 : memref<1x200x32xf32, #tpu.memory_space<hbm>> -> memref<200x32xf32, #tpu.memory_space<hbm>>
        %dma_start3A_150 = arith.constant 0 : i32
        %dma_start3A_151 = tpu.memref_slice %arg10[%mul3A_147, %dma_start3A_150] : memref<10000x32xf32, #tpu.memory_space<vmem_shared>> -> memref<200x32xf32, #tpu.memory_space<vmem_shared>>
        tpu.enqueue_dma source(%dma_start3A_151 : memref<200x32xf32, #tpu.memory_space<vmem_shared>>) target(%dma_start3A_149 : memref<200x32xf32, #tpu.memory_space<hbm>>) target_semaphore(%run_scoped3A : memref<!tpu.dma_semaphore, #tpu.memory_space<semaphore_mem>>)
        %dma_wait3A = arith.constant 0 : i32
        %dma_wait3A_152 = tpu.memref_slice %arg4[%add3A_76, %mul3A_147, %dma_wait3A] : memref<4x10000x32xf32, #tpu.memory_space<hbm>> -> memref<1x200x32xf32, #tpu.memory_space<hbm>>
        %dma_wait3A_153 = tpu.memref_squeeze %dma_wait3A_152 : memref<1x200x32xf32, #tpu.memory_space<hbm>> -> memref<200x32xf32, #tpu.memory_space<hbm>>
        %dma_wait3A_154 = arith.constant 0 : i32
        %dma_wait3A_155 = tpu.memref_slice %arg10[%mul3A_147, %dma_wait3A_154] : memref<10000x32xf32, #tpu.memory_space<vmem_shared>> -> memref<200x32xf32, #tpu.memory_space<vmem_shared>>
        tpu.wait_dma2 semaphore(%run_scoped3A : memref<!tpu.dma_semaphore, #tpu.memory_space<semaphore_mem>>) src(%dma_wait3A_155 : memref<200x32xf32, #tpu.memory_space<vmem_shared>>) dst(%dma_wait3A_153 : memref<200x32xf32, #tpu.memory_space<hbm>>)
        tpu.yield
      }) : () -> ()
    } else {
    }
    %add3A_131 = arith.constant 32 : i32
    %add3A_132 = arith.addi %arg1, %add3A_131 : i32
    %lt3A_133 = arith.constant 50 : i32
    %lt3A_134 = arith.cmpi slt, %add3A_132, %lt3A_133 : i32
    %convert_element_type3A_135 = arith.extui %lt3A_134 : i1 to i32
    %cond3A_136 = arith.constant 0 : i32
    %cond3A_137 = arith.cmpi ne, %convert_element_type3A_135, %cond3A_136 : i32
    scf.if %cond3A_137 {
      %mul3A_146 = arith.constant 200 : i32
      %mul3A_147 = arith.muli %add3A_132, %mul3A_146 : i32
      "tpu.region"() ({
        %run_scoped3A = tpu.sem_alloc : memref<!tpu.dma_semaphore, #tpu.memory_space<semaphore_mem>>
        %dma_start3A = arith.constant 0 : i32
        %dma_start3A_148 = tpu.memref_slice %arg4[%add3A_76, %mul3A_147, %dma_start3A] : memref<4x10000x32xf32, #tpu.memory_space<hbm>> -> memref<1x200x32xf32, #tpu.memory_space<hbm>>
        %dma_start3A_149 = tpu.memref_squeeze %dma_start3A_148 : memref<1x200x32xf32, #tpu.memory_space<hbm>> -> memref<200x32xf32, #tpu.memory_space<hbm>>
        %dma_start3A_150 = arith.constant 0 : i32
        %dma_start3A_151 = tpu.memref_slice %arg10[%mul3A_147, %dma_start3A_150] : memref<10000x32xf32, #tpu.memory_space<vmem_shared>> -> memref<200x32xf32, #tpu.memory_space<vmem_shared>>
        tpu.enqueue_dma source(%dma_start3A_151 : memref<200x32xf32, #tpu.memory_space<vmem_shared>>) target(%dma_start3A_149 : memref<200x32xf32, #tpu.memory_space<hbm>>) target_semaphore(%run_scoped3A : memref<!tpu.dma_semaphore, #tpu.memory_space<semaphore_mem>>)
        %dma_wait3A = arith.constant 0 : i32
        %dma_wait3A_152 = tpu.memref_slice %arg4[%add3A_76, %mul3A_147, %dma_wait3A] : memref<4x10000x32xf32, #tpu.memory_space<hbm>> -> memref<1x200x32xf32, #tpu.memory_space<hbm>>
        %dma_wait3A_153 = tpu.memref_squeeze %dma_wait3A_152 : memref<1x200x32xf32, #tpu.memory_space<hbm>> -> memref<200x32xf32, #tpu.memory_space<hbm>>
        %dma_wait3A_154 = arith.constant 0 : i32
        %dma_wait3A_155 = tpu.memref_slice %arg10[%mul3A_147, %dma_wait3A_154] : memref<10000x32xf32, #tpu.memory_space<vmem_shared>> -> memref<200x32xf32, #tpu.memory_space<vmem_shared>>
        tpu.wait_dma2 semaphore(%run_scoped3A : memref<!tpu.dma_semaphore, #tpu.memory_space<semaphore_mem>>) src(%dma_wait3A_155 : memref<200x32xf32, #tpu.memory_space<vmem_shared>>) dst(%dma_wait3A_153 : memref<200x32xf32, #tpu.memory_space<hbm>>)
        tpu.yield
      }) : () -> ()
    } else {
    }
    %add3A_138 = arith.constant 48 : i32
    %add3A_139 = arith.addi %arg1, %add3A_138 : i32
    %lt3A_140 = arith.constant 50 : i32
    %lt3A_141 = arith.cmpi slt, %add3A_139, %lt3A_140 : i32
    %convert_element_type3A_142 = arith.extui %lt3A_141 : i1 to i32
    %cond3A_143 = arith.constant 0 : i32
    %cond3A_144 = arith.cmpi ne, %convert_element_type3A_142, %cond3A_143 : i32
    scf.if %cond3A_144 {
      %mul3A_146 = arith.constant 200 : i32
      %mul3A_147 = arith.muli %add3A_139, %mul3A_146 : i32
      "tpu.region"() ({
        %run_scoped3A = tpu.sem_alloc : memref<!tpu.dma_semaphore, #tpu.memory_space<semaphore_mem>>
        %dma_start3A = arith.constant 0 : i32
        %dma_start3A_148 = tpu.memref_slice %arg4[%add3A_76, %mul3A_147, %dma_start3A] : memref<4x10000x32xf32, #tpu.memory_space<hbm>> -> memref<1x200x32xf32, #tpu.memory_space<hbm>>
        %dma_start3A_149 = tpu.memref_squeeze %dma_start3A_148 : memref<1x200x32xf32, #tpu.memory_space<hbm>> -> memref<200x32xf32, #tpu.memory_space<hbm>>
        %dma_start3A_150 = arith.constant 0 : i32
        %dma_start3A_151 = tpu.memref_slice %arg10[%mul3A_147, %dma_start3A_150] : memref<10000x32xf32, #tpu.memory_space<vmem_shared>> -> memref<200x32xf32, #tpu.memory_space<vmem_shared>>
        tpu.enqueue_dma source(%dma_start3A_151 : memref<200x32xf32, #tpu.memory_space<vmem_shared>>) target(%dma_start3A_149 : memref<200x32xf32, #tpu.memory_space<hbm>>) target_semaphore(%run_scoped3A : memref<!tpu.dma_semaphore, #tpu.memory_space<semaphore_mem>>)
        %dma_wait3A = arith.constant 0 : i32
        %dma_wait3A_152 = tpu.memref_slice %arg4[%add3A_76, %mul3A_147, %dma_wait3A] : memref<4x10000x32xf32, #tpu.memory_space<hbm>> -> memref<1x200x32xf32, #tpu.memory_space<hbm>>
        %dma_wait3A_153 = tpu.memref_squeeze %dma_wait3A_152 : memref<1x200x32xf32, #tpu.memory_space<hbm>> -> memref<200x32xf32, #tpu.memory_space<hbm>>
        %dma_wait3A_154 = arith.constant 0 : i32
        %dma_wait3A_155 = tpu.memref_slice %arg10[%mul3A_147, %dma_wait3A_154] : memref<10000x32xf32, #tpu.memory_space<vmem_shared>> -> memref<200x32xf32, #tpu.memory_space<vmem_shared>>
        tpu.wait_dma2 semaphore(%run_scoped3A : memref<!tpu.dma_semaphore, #tpu.memory_space<semaphore_mem>>) src(%dma_wait3A_155 : memref<200x32xf32, #tpu.memory_space<vmem_shared>>) dst(%dma_wait3A_153 : memref<200x32xf32, #tpu.memory_space<hbm>>)
        tpu.yield
      }) : () -> ()
    } else {
    }
    %barrier3A_145 = arith.constant 0 : index
    tpu.barrier barrier_id(%barrier3A_145)
    return
  }
}

module attributes {stable_mosaic.version = 14 : i64} {
  func.func @_phase_c_body(%arg0: i32, %arg1: memref<4x2000x32xf32, #tpu.memory_space<vmem>>, %arg2: memref<2x2000x16xf32, #tpu.memory_space<vmem>>, %arg3: memref<2000x128xf32, #tpu.memory_space<vmem>>) attributes {dimension_semantics = [#tpu.dimension_semantics<arbitrary>], iteration_bounds = array<i64: 5>, scalar_prefetch = 0 : i64, scratch_operands = 0 : i64, tpu.core_type = #tpu.core_type<tc>, window_params = [{transform_indices = @transform_0, window_bounds = array<i64: 4, 2000, 32>}, {transform_indices = @transform_1, window_bounds = array<i64: 2, 2000, 16>}, {transform_indices = @transform_2, window_bounds = array<i64: 2000, 128>}]} {
    %get3A = arith.constant 0 : index
    %get3A_0 = arith.constant 0 : index
    %get3A_1 = arith.constant 0 : index
    %get3A_2 = vector.load %arg2[%get3A, %get3A_0, %get3A_1] : memref<2x2000x16xf32, #tpu.memory_space<vmem>>, vector<1x2000x1xf32>
    %get3A_3 = vector.shape_cast %get3A_2 : vector<1x2000x1xf32> to vector<2000x1xf32>
    %get3A_4 = arith.constant 1 : index
    %get3A_5 = arith.constant 0 : index
    %get3A_6 = arith.constant 0 : index
    %get3A_7 = vector.load %arg2[%get3A_4, %get3A_5, %get3A_6] : memref<2x2000x16xf32, #tpu.memory_space<vmem>>, vector<1x2000x1xf32>
    %get3A_8 = vector.shape_cast %get3A_7 : vector<1x2000x1xf32> to vector<2000x1xf32>
    %add3A = arith.addf %get3A_3, %get3A_8 : vector<2000x1xf32>
    %add3A_9 = arith.constant 1.000000e-10 : f32
    %add3A_10 = vector.broadcast %add3A_9 : f32 to vector<2000x1xf32>
    %add3A_11 = arith.addf %add3A, %add3A_10 : vector<2000x1xf32>
    %get3A_12 = arith.constant 0 : index
    %get3A_13 = arith.constant 0 : index
    %get3A_14 = arith.constant 0 : index
    %get3A_15 = vector.load %arg1[%get3A_12, %get3A_13, %get3A_14] : memref<4x2000x32xf32, #tpu.memory_space<vmem>>, vector<1x2000x32xf32>
    %get3A_16 = vector.shape_cast %get3A_15 : vector<1x2000x32xf32> to vector<2000x32xf32>
    %get3A_17 = arith.constant 1 : index
    %get3A_18 = arith.constant 0 : index
    %get3A_19 = arith.constant 0 : index
    %get3A_20 = vector.load %arg1[%get3A_17, %get3A_18, %get3A_19] : memref<4x2000x32xf32, #tpu.memory_space<vmem>>, vector<1x2000x32xf32>
    %get3A_21 = vector.shape_cast %get3A_20 : vector<1x2000x32xf32> to vector<2000x32xf32>
    %get3A_22 = arith.constant 2 : index
    %get3A_23 = arith.constant 0 : index
    %get3A_24 = arith.constant 0 : index
    %get3A_25 = vector.load %arg1[%get3A_22, %get3A_23, %get3A_24] : memref<4x2000x32xf32, #tpu.memory_space<vmem>>, vector<1x2000x32xf32>
    %get3A_26 = vector.shape_cast %get3A_25 : vector<1x2000x32xf32> to vector<2000x32xf32>
    %get3A_27 = arith.constant 3 : index
    %get3A_28 = arith.constant 0 : index
    %get3A_29 = arith.constant 0 : index
    %get3A_30 = vector.load %arg1[%get3A_27, %get3A_28, %get3A_29] : memref<4x2000x32xf32, #tpu.memory_space<vmem>>, vector<1x2000x32xf32>
    %get3A_31 = vector.shape_cast %get3A_30 : vector<1x2000x32xf32> to vector<2000x32xf32>
    %concatenate3A = tpu.concatenate %get3A_16, %get3A_21, %get3A_26, %get3A_31 in 1 : vector<2000x32xf32>, vector<2000x32xf32>, vector<2000x32xf32>, vector<2000x32xf32> -> vector<2000x128xf32>
    %div3A = vector.broadcast %add3A_11 : vector<2000x1xf32> to vector<2000x128xf32>
    %div3A_32 = arith.divf %concatenate3A, %div3A : vector<2000x128xf32>
    %swap3A = arith.constant 0 : index
    %swap3A_33 = arith.constant 0 : index
    %swap3A_34 = vector.load %arg3[%swap3A, %swap3A_33] : memref<2000x128xf32, #tpu.memory_space<vmem>>, vector<2000x128xf32>
    tpu.vector_store %arg3[%swap3A, %swap3A_33], %div3A_32 {strides = array<i32>} : memref<2000x128xf32, #tpu.memory_space<vmem>>, vector<2000x128xf32>,
    return
  }
  func.func @transform_0(%arg0: i32) -> (i32, i32, i32) {
    %c0_i32 = arith.constant 0 : i32
    %c0_i32_0 = arith.constant 0 : i32
    %c0_i32_1 = arith.constant 0 : i32
    return %c0_i32, %arg0, %c0_i32_0 : i32, i32, i32
  }
  func.func @transform_1(%arg0: i32) -> (i32, i32, i32) {
    %c0_i32 = arith.constant 0 : i32
    %c0_i32_0 = arith.constant 0 : i32
    %c0_i32_1 = arith.constant 0 : i32
    return %c0_i32, %arg0, %c0_i32_0 : i32, i32, i32
  }
  func.func @transform_2(%arg0: i32) -> (i32, i32) {
    %c0_i32 = arith.constant 0 : i32
    %c0_i32_0 = arith.constant 0 : i32
    return %arg0, %c0_i32 : i32, i32
  }
}

module attributes {stable_mosaic.version = 14 : i64} {
  func.func @_phase_a_body(%arg0: i32, %arg1: memref<1280x128xf32, #tpu.memory_space<vmem>>, %arg2: memref<1280x1xf32, #tpu.memory_space<vmem>>, %arg3: memref<128x1xf32, #tpu.memory_space<vmem>>, %arg4: memref<1x1xf32, #tpu.memory_space<vmem>>, %arg5: memref<128x128xf32, #tpu.memory_space<vmem>>, %arg6: memref<1x128xf32, #tpu.memory_space<vmem>>, %arg7: memref<1x1xf32, #tpu.memory_space<vmem>>, %arg8: memref<4x1280x32xf32, #tpu.memory_space<vmem>>, %arg9: memref<1280x16xf32, #tpu.memory_space<vmem>>) attributes {dimension_semantics = [#tpu.dimension_semantics<arbitrary>], iteration_bounds = array<i64: 250>, scalar_prefetch = 0 : i64, scratch_operands = 0 : i64, tpu.core_type = #tpu.core_type<tc>, window_params = [{transform_indices = @transform_0, window_bounds = array<i64: 1280, 128>}, {transform_indices = @transform_1, window_bounds = array<i64: 1280, 1>}, {pipeline_mode = #tpu.pipeline_mode<synchronous>, transform_indices = @transform_2, window_bounds = array<i64: 128, 1>}, {pipeline_mode = #tpu.pipeline_mode<synchronous>, transform_indices = @transform_3, window_bounds = array<i64: 1, 1>}, {pipeline_mode = #tpu.pipeline_mode<synchronous>, transform_indices = @transform_4, window_bounds = array<i64: 128, 128>}, {pipeline_mode = #tpu.pipeline_mode<synchronous>, transform_indices = @transform_5, window_bounds = array<i64: 1, 128>}, {pipeline_mode = #tpu.pipeline_mode<synchronous>, transform_indices = @transform_6, window_bounds = array<i64: 1, 1>}, {transform_indices = @transform_7, window_bounds = array<i64: 4, 1280, 32>}, {transform_indices = @transform_8, window_bounds = array<i64: 1280, 16>}]} {
    %get3A = arith.constant 0 : index
    %get3A_0 = arith.constant 0 : index
    %get3A_1 = vector.load %arg1[%get3A, %get3A_0] : memref<1280x128xf32, #tpu.memory_space<vmem>>, vector<1280x128xf32>
    %get3A_2 = arith.constant 0 : index
    %get3A_3 = arith.constant 0 : index
    %get3A_4 = vector.load %arg3[%get3A_2, %get3A_3] : memref<128x1xf32, #tpu.memory_space<vmem>>, vector<128x1xf32>
    %dot_general3A = arith.constant dense<0.000000e+00> : vector<1280x1xf32>
    %dot_general3A_5 = tpu.matmul %get3A_1, %get3A_4, %dot_general3A {dimension_numbers = #tpu.dot_dimension_numbers<[1], [0], [0], [1], [0, 0, 1, 1], [], []>, transpose_lhs_hint = false} : vector<1280x128xf32>, vector<128x1xf32>, vector<1280x1xf32> -> vector<1280x1xf32>
    %get3A_6 = arith.constant 0 : index
    %get3A_7 = arith.constant 0 : index
    %get3A_8 = vector.load %arg4[%get3A_6, %get3A_7] : memref<1x1xf32, #tpu.memory_space<vmem>>, vector<1x1xf32>
    %get3A_9 = vector.extract %get3A_8[0, 0] : f32 from vector<1x1xf32>
    %add3A = vector.broadcast %get3A_9 : f32 to vector<1280x1xf32>
    %add3A_10 = arith.addf %dot_general3A_5, %add3A : vector<1280x1xf32>
    %get3A_11 = arith.constant 0 : index
    %get3A_12 = arith.constant 0 : index
    %get3A_13 = vector.load %arg7[%get3A_11, %get3A_12] : memref<1x1xf32, #tpu.memory_space<vmem>>, vector<1x1xf32>
    %get3A_14 = vector.extract %get3A_13[0, 0] : f32 from vector<1x1xf32>
    %get3A_15 = arith.constant 0 : index
    %get3A_16 = arith.constant 0 : index
    %get3A_17 = vector.load %arg2[%get3A_15, %get3A_16] : memref<1280x1xf32, #tpu.memory_space<vmem>>, vector<1280x1xf32>
    %pow3A = vector.broadcast %get3A_14 : f32 to vector<1280x1xf32>
    %pow3A_18 = math.powf %get3A_17, %pow3A : vector<1280x1xf32>
    %abs3A = math.absf %get3A_14 : f32
    %pow3A_19 = vector.broadcast %abs3A : f32 to vector<1280x1xf32>
    %pow3A_20 = math.powf %get3A_17, %pow3A_19 : vector<1280x1xf32>
    %add3A_21 = arith.constant 1.000000e-10 : f32
    %add3A_22 = vector.broadcast %add3A_21 : f32 to vector<1280x1xf32>
    %add3A_23 = arith.addf %pow3A_20, %add3A_22 : vector<1280x1xf32>
    %div3A = arith.constant 1.000000e+00 : f32
    %div3A_24 = vector.broadcast %div3A : f32 to vector<1280x1xf32>
    %div3A_25 = arith.divf %div3A_24, %add3A_23 : vector<1280x1xf32>
    %gt3A = arith.constant 0.000000e+00 : f32
    %gt3A_26 = arith.cmpf ogt, %get3A_14, %gt3A : f32
    %select_n3A = arith.select %gt3A_26, %pow3A_18, %div3A_25 : vector<1280x1xf32>
    %exp3A = math.exp %add3A_10 : vector<1280x1xf32>
    %mul3A = arith.mulf %select_n3A, %exp3A : vector<1280x1xf32>
    %get3A_27 = arith.constant 0 : index
    %get3A_28 = arith.constant 0 : index
    %get3A_29 = vector.load %arg5[%get3A_27, %get3A_28] : memref<128x128xf32, #tpu.memory_space<vmem>>, vector<128x128xf32>
    %dot_general3A_30 = arith.constant dense<0.000000e+00> : vector<1280x128xf32>
    %dot_general3A_31 = tpu.matmul %get3A_1, %get3A_29, %dot_general3A_30 {dimension_numbers = #tpu.dot_dimension_numbers<[1], [0], [0], [1], [0, 0, 1, 1], [], []>, transpose_lhs_hint = false} : vector<1280x128xf32>, vector<128x128xf32>, vector<1280x128xf32> -> vector<1280x128xf32>
    %get3A_32 = arith.constant 0 : index
    %get3A_33 = arith.constant 0 : index
    %get3A_34 = vector.load %arg6[%get3A_32, %get3A_33] : memref<1x128xf32, #tpu.memory_space<vmem>>, vector<1x128xf32>
    %add3A_35 = vector.broadcast %get3A_34 : vector<1x128xf32> to vector<1280x128xf32>
    %add3A_36 = arith.addf %dot_general3A_31, %add3A_35 : vector<1280x128xf32>
    %mul3A_37 = vector.broadcast %mul3A : vector<1280x1xf32> to vector<1280x128xf32>
    %mul3A_38 = arith.mulf %mul3A_37, %add3A_36 : vector<1280x128xf32>
    %slice3A = vector.extract_strided_slice %mul3A_38 {offsets = [0, 0], sizes = [1280, 32], strides = [1, 1]} : vector<1280x128xf32> to vector<1280x32xf32>
    %swap3A = arith.constant 0 : index
    %swap3A_39 = arith.constant 0 : index
    %swap3A_40 = arith.constant 0 : index
    %swap3A_41 = vector.load %arg8[%swap3A, %swap3A_39, %swap3A_40] : memref<4x1280x32xf32, #tpu.memory_space<vmem>>, vector<1x1280x32xf32>
    %swap3A_42 = vector.shape_cast %swap3A_41 : vector<1x1280x32xf32> to vector<1280x32xf32>
    %swap3A_43 = vector.shape_cast %slice3A : vector<1280x32xf32> to vector<1x1280x32xf32>
    tpu.vector_store %arg8[%swap3A, %swap3A_39, %swap3A_40], %swap3A_43 {strides = array<i32>} : memref<4x1280x32xf32, #tpu.memory_space<vmem>>, vector<1x1280x32xf32>,
    %slice3A_44 = vector.extract_strided_slice %mul3A_38 {offsets = [0, 32], sizes = [1280, 32], strides = [1, 1]} : vector<1280x128xf32> to vector<1280x32xf32>
    %swap3A_45 = arith.constant 1 : index
    %swap3A_46 = arith.constant 0 : index
    %swap3A_47 = arith.constant 0 : index
    %swap3A_48 = vector.load %arg8[%swap3A_45, %swap3A_46, %swap3A_47] : memref<4x1280x32xf32, #tpu.memory_space<vmem>>, vector<1x1280x32xf32>
    %swap3A_49 = vector.shape_cast %swap3A_48 : vector<1x1280x32xf32> to vector<1280x32xf32>
    %swap3A_50 = vector.shape_cast %slice3A_44 : vector<1280x32xf32> to vector<1x1280x32xf32>
    tpu.vector_store %arg8[%swap3A_45, %swap3A_46, %swap3A_47], %swap3A_50 {strides = array<i32>} : memref<4x1280x32xf32, #tpu.memory_space<vmem>>, vector<1x1280x32xf32>,
    %slice3A_51 = vector.extract_strided_slice %mul3A_38 {offsets = [0, 64], sizes = [1280, 32], strides = [1, 1]} : vector<1280x128xf32> to vector<1280x32xf32>
    %swap3A_52 = arith.constant 2 : index
    %swap3A_53 = arith.constant 0 : index
    %swap3A_54 = arith.constant 0 : index
    %swap3A_55 = vector.load %arg8[%swap3A_52, %swap3A_53, %swap3A_54] : memref<4x1280x32xf32, #tpu.memory_space<vmem>>, vector<1x1280x32xf32>
    %swap3A_56 = vector.shape_cast %swap3A_55 : vector<1x1280x32xf32> to vector<1280x32xf32>
    %swap3A_57 = vector.shape_cast %slice3A_51 : vector<1280x32xf32> to vector<1x1280x32xf32>
    tpu.vector_store %arg8[%swap3A_52, %swap3A_53, %swap3A_54], %swap3A_57 {strides = array<i32>} : memref<4x1280x32xf32, #tpu.memory_space<vmem>>, vector<1x1280x32xf32>,
    %slice3A_58 = vector.extract_strided_slice %mul3A_38 {offsets = [0, 96], sizes = [1280, 32], strides = [1, 1]} : vector<1280x128xf32> to vector<1280x32xf32>
    %swap3A_59 = arith.constant 3 : index
    %swap3A_60 = arith.constant 0 : index
    %swap3A_61 = arith.constant 0 : index
    %swap3A_62 = vector.load %arg8[%swap3A_59, %swap3A_60, %swap3A_61] : memref<4x1280x32xf32, #tpu.memory_space<vmem>>, vector<1x1280x32xf32>
    %swap3A_63 = vector.shape_cast %swap3A_62 : vector<1x1280x32xf32> to vector<1280x32xf32>
    %swap3A_64 = vector.shape_cast %slice3A_58 : vector<1280x32xf32> to vector<1x1280x32xf32>
    tpu.vector_store %arg8[%swap3A_59, %swap3A_60, %swap3A_61], %swap3A_64 {strides = array<i32>} : memref<4x1280x32xf32, #tpu.memory_space<vmem>>, vector<1x1280x32xf32>,
    %broadcast_in_dim3A = vector.shape_cast %mul3A : vector<1280x1xf32> to vector<1280x1xf32>
    %broadcast_in_dim3A_65 = vector.broadcast %broadcast_in_dim3A : vector<1280x1xf32> to vector<1280x16xf32>
    %swap3A_66 = arith.constant 0 : index
    %swap3A_67 = arith.constant 0 : index
    %swap3A_68 = vector.load %arg9[%swap3A_66, %swap3A_67] : memref<1280x16xf32, #tpu.memory_space<vmem>>, vector<1280x16xf32>
    tpu.vector_store %arg9[%swap3A_66, %swap3A_67], %broadcast_in_dim3A_65 {strides = array<i32>} : memref<1280x16xf32, #tpu.memory_space<vmem>>, vector<1280x16xf32>,
    return
  }
  func.func @transform_0(%arg0: i32) -> (i32, i32) {
    %c0_i32 = arith.constant 0 : i32
    %c0_i32_0 = arith.constant 0 : i32
    return %arg0, %c0_i32 : i32, i32
  }
  func.func @transform_1(%arg0: i32) -> (i32, i32) {
    %c0_i32 = arith.constant 0 : i32
    %c0_i32_0 = arith.constant 0 : i32
    return %arg0, %c0_i32 : i32, i32
  }
  func.func @transform_2(%arg0: i32) -> (i32, i32) {
    %c0_i32 = arith.constant 0 : i32
    %c0_i32_0 = arith.constant 0 : i32
    %c0_i32_1 = arith.constant 0 : i32
    return %c0_i32, %c0_i32_0 : i32, i32
  }
  func.func @transform_3(%arg0: i32) -> (i32, i32) {
    %c0_i32 = arith.constant 0 : i32
    %c0_i32_0 = arith.constant 0 : i32
    %c0_i32_1 = arith.constant 0 : i32
    return %c0_i32, %c0_i32_0 : i32, i32
  }
  func.func @transform_4(%arg0: i32) -> (i32, i32) {
    %c0_i32 = arith.constant 0 : i32
    %c0_i32_0 = arith.constant 0 : i32
    %c0_i32_1 = arith.constant 0 : i32
    return %c0_i32, %c0_i32_0 : i32, i32
  }
  func.func @transform_5(%arg0: i32) -> (i32, i32) {
    %c0_i32 = arith.constant 0 : i32
    %c0_i32_0 = arith.constant 0 : i32
    %c0_i32_1 = arith.constant 0 : i32
    return %c0_i32, %c0_i32_0 : i32, i32
  }
  func.func @transform_6(%arg0: i32) -> (i32, i32) {
    %c0_i32 = arith.constant 0 : i32
    %c0_i32_0 = arith.constant 0 : i32
    %c0_i32_1 = arith.constant 0 : i32
    return %c0_i32, %c0_i32_0 : i32, i32
  }
  func.func @transform_7(%arg0: i32) -> (i32, i32, i32) {
    %c0_i32 = arith.constant 0 : i32
    %c0_i32_0 = arith.constant 0 : i32
    %c0_i32_1 = arith.constant 0 : i32
    return %c0_i32, %arg0, %c0_i32_0 : i32, i32, i32
  }
  func.func @transform_8(%arg0: i32) -> (i32, i32) {
    %c0_i32 = arith.constant 0 : i32
    %c0_i32_0 = arith.constant 0 : i32
    return %arg0, %c0_i32 : i32, i32
  }
}

</mosaic_0001>

<sc_bundles>
// kernel: kernel.6.cloned.1.call-start
scs
__scs_entry_jumppad:
0x0: {  	(pc) =	sbr.rel $0x88, $3  }
0x1: {  	(tag) =	ssettag $0x0;
	lr =	simm.s32 $0x1  }
0x2: {  	[smem:$0x3F99] =	sst lr;
	_ =	strace $0xD0000000  }
0x3: {  	_ = 	snop  }
0x4: {  	_ = 	snop  }
0x5: {  	_ = 	snop  }
0x6: {  	_ = 	snop  }
0x7: {  	_ = 	snop  }
__scs_overlays_trampoline_lowered:
0x8: {  	[smem:$0x3FA8] =	sst s0  }
0x9: {  	[smem:$0x3FA9] =	sst s1  }
0xa: {  	[smem:$0x3FAA] =	sst s2  }
0xb: {  	[smem:$0x3FAB] =	sst s3  }
0xc: {  	[smem:$0x3FAC] =	sst s4  }
0xd: {  	[smem:$0x3FAD] =	sst s5  }
0xe: {  	[smem:$0x3FAE] =	sst s6  }
0xf: {  	[smem:$0x3FAF] =	sst s7  }
0x10: {  	[smem:$0x3FB0] =	sst s8  }
0x11: {  	[smem:$0x3FB1] =	sst s9;
	s0 =	simm.s32 @!p0 $0x0  }
0x12: {  	s1 =	sld [smem:$0x3F97];
	s0 =	simm.s32 @p0 $0x1  }
0x13: {  	[smem:$0x3FB2] =	sst s0;
	s0 =	simm.s32 @!p1 $0x0  }
0x14: {  	s2 =	sld [smem:$0x3F96];
	s0 =	simm.s32 @p1 $0x1  }
0x15: {  	[smem:$0x3FB3] =	sst s0;
	s0 =	simm.s32 @!p2 $0x0  }
0x16: {  	s3 =	sld [smem:$0x3FDB];
	s0 =	simm.s32 @p2 $0x1  }
0x17: {  	s4 =	simm.s32 $0x1BF5;
	[smem:$0x3FB5] =	sst s0  }
0x18: {  	s0 =	sld [smem:$0x3F98];
	_ =	swait.ge [sflag:s4], $0x0  }
0x19: {  	s7 =	sld [smem:$0x3F99]  }
0x1a: {  	s8 =	sadd.s32 $0xFFFFE003, lr  }
0x1b: {  	s9 =	sadd.s32 $0xFFFFFEF7, lr;
	s5 =	simm.s32 $0xFFFFFFFF;
	p2 =	slt.u32 s8, $0xFFFFF086  }
0x1c: {  	p1 =	slt.u32 s9, $0xF7A;
	s5 =	simm.s32 @!p2 $0x0  }
0x1d: {  	s5 =	simm.s32 @p1 $0x1;
	p0 =	seq.s32 s7, s2  }
0x1e: {  	s7 =	smul.u32 @!p0 $0xF7A, s2;
	p2 =	seq.s32 @!p0 s5, $0x0  }
0x1f: {  	s9 =	smul.u32 $0xF7A, s1;
	s8 =	simm.s32 @!p0 $0x1BF5;
	p2 =	por !p2, p0  }
0x20: {  	[sflag:s8] =	ssyncset.s32 @!p0 $0xFFFFF086;
	s6 =	sadd.s32 @!p0 s3, s7;
	s7 =	simm.s32 @!p0 $0x108  }
0x21: {  	s3 =	sadd.s32 s3, s9;
	s6 =	sadd.s32 @!p0 $0x88, s6;
	s7 =	simm.s32 @p2 $0x1082  }
0x22: {  	[simem:s7], [sflag:s8] =	dma.local @!p0 [hbm:s6], $0xF7A  }
0x23: {  	s9 =	sor.u32 $0xD0000000, s2;
	s6 =	simm.s32 $0x108;
	_ =	swait.ge @!p0 [sflag:s8], $0x0  }
0x24: {  	s3 =	sadd.s32 $0x88, s3;
	s6 =	simm.s32 @!p1 $0x1082;
	[sflag:s4] =	ssyncset.s32 $0xFFFFF086  }
0x25: {  	[simem:s6], [sflag:s4] =	dma.local [hbm:s3], $0xF7A  }
0x26: {  	[smem:$0x3F99] =	sst s1;
	(tag) =	ssettag s2;
	_ =	strace s9  }
0x27: {  	s1 =	sld [smem:$0x3FA9]  }
0x28: {  	s2 =	sld [smem:$0x3FAA]  }
0x29: {  	s4 =	sld [smem:$0x3FAC]  }
0x2a: {  	p0 =	seq.s32 s5, $0x0;
	s5 =	sld [smem:$0x3FAD]  }
0x2b: {  	s6 =	sld [smem:$0x3FAE]  }
0x2c: {  	s7 =	sld [smem:$0x3FAF]  }
0x2d: {  	s3 =	simm.s32 $0x108;
	s8 =	sld [smem:$0x3FB0]  }
0x2e: {  	s3 =	simm.s32 @!p0 $0x1082;
	s9 =	sld [smem:$0x3FB1]  }
0x2f: {  	lr =	sadd.s32 s0, s3;
	s0 =	sld [smem:$0x3FA8]  }
0x30: {  	s3 =	sld [smem:$0x3FAB]  }
0x31: {  	[smem:$0x3FB4] =	sst s10  }
0x32: {  	s10 =	sld [smem:$0x3FB2];
	_ =	sdelay $0x3  }
0x33: {  	p0 =	seq.s32 s10, $0x1;
	s10 =	sld [smem:$0x3FB4];
	_ =	sdelay $0x3  }
0x34: {  	[smem:$0x3FB4] =	sst s10  }
0x35: {  	s10 =	sld [smem:$0x3FB3];
	_ =	sdelay $0x3  }
0x36: {  	p1 =	seq.s32 s10, $0x1;
	s10 =	sld [smem:$0x3FB4];
	_ =	sdelay $0x3  }
0x37: {  	[smem:$0x3FB4] =	sst s10  }
0x38: {  	s10 =	sld [smem:$0x3FB5]  }
0x39: {  	_ = 	snop;
	(pc) =	sbr.ind lr, $3  }
0x3a: {  	_ = 	snop  }
0x3b: {  	_ = 	snop  }
0x3c: {  	p2 =	seq.s32 s10, $0x1;
	s10 =	sld [smem:$0x3FB4]  }
0x3d: {  	_ =	shalt  }
0x3e: {  	_ =	shalt  }
0x3f: {  	_ =	shalt  }
0x40: {  	_ =	shalt  }
0x41: {  	_ =	shalt  }
0x42: {  	_ =	shalt  }
0x43: {  	_ =	shalt  }
0x44: {  	_ =	shalt  }
0x45: {  	_ =	shalt  }
0x46: {  	_ =	shalt  }
0x47: {  	_ =	shalt  }
0x48: {  	_ =	shalt  }
0x49: {  	_ =	shalt  }
0x4a: {  	_ =	shalt  }
0x4b: {  	_ =	shalt  }
0x4c: {  	_ =	shalt  }
0x4d: {  	_ =	shalt  }
0x4e: {  	_ =	shalt  }
0x4f: {  	_ =	shalt  }
0x50: {  	_ =	shalt  }
0x51: {  	_ =	shalt  }
0x52: {  	_ =	shalt  }
0x53: {  	_ =	shalt  }
0x54: {  	_ =	shalt  }
0x55: {  	_ =	shalt  }
0x56: {  	_ =	shalt  }
0x57: {  	_ =	shalt  }
0x58: {  	_ =	shalt  }
0x59: {  	_ =	shalt  }
0x5a: {  	_ =	shalt  }
0x5b: {  	_ =	shalt  }
0x5c: {  	_ =	shalt  }
0x5d: {  	_ =	shalt  }
0x5e: {  	_ =	shalt  }
0x5f: {  	_ =	shalt  }
0x60: {  	_ =	shalt  }
0x61: {  	_ =	shalt  }
0x62: {  	_ =	shalt  }
0x63: {  	_ =	shalt  }
0x64: {  	_ =	shalt  }
0x65: {  	_ =	shalt  }
0x66: {  	_ =	shalt  }
0x67: {  	_ =	shalt  }
0x68: {  	_ =	shalt  }
0x69: {  	_ =	shalt  }
0x6a: {  	_ =	shalt  }
0x6b: {  	_ =	shalt  }
0x6c: {  	_ =	shalt  }
0x6d: {  	_ =	shalt  }
0x6e: {  	_ =	shalt  }
0x6f: {  	_ =	shalt  }
0x70: {  	_ =	shalt  }
0x71: {  	_ =	shalt  }
0x72: {  	_ =	shalt  }
0x73: {  	_ =	shalt  }
0x74: {  	_ =	shalt  }
0x75: {  	_ =	shalt  }
0x76: {  	_ =	shalt  }
0x77: {  	_ =	shalt  }
0x78: {  	_ =	shalt  }
0x79: {  	_ =	shalt  }
0x7a: {  	_ =	shalt  }
0x7b: {  	_ =	shalt  }
0x7c: {  	_ =	shalt  }
0x7d: {  	_ =	shalt  }
0x7e: {  	_ =	shalt  }
0x7f: {  	_ =	shalt  }
0x80: {  	_ =	shalt  }
0x81: {  	_ =	shalt  }
0x82: {  	_ =	shalt  }
0x83: {  	_ =	shalt  }
0x84: {  	_ =	shalt  }
0x85: {  	_ =	shalt  }
0x86: {  	_ =	shalt  }
0x87: {  	_ =	shalt  }
.Lfunc_end0:
.L_simem_size_0:
called_computation_lowered:
.L_overlay_start_0:
0x88: {  	s2 =	sld [smem:$0x3FD9]  }
0x89: {  	s3 =	sld [smem:$0x3FFE];
	_ =	sdelay $0x1  }
0x8a: {  	s1 =	srdreg.scid  }
0x8b: {  	s0 =	sand.u32 $0x1, s1  }
0x8c: {  	s17 =	sshll.u32 s0, $0xA;
	s2 =	sadd.s32 s3, s2  }
0x8d: {  	s2 =	sadd.s32 s2, s17  }
0x8e: {  	[smem:$0x3FC0] =	sst s2  }
0x8f: {  	_ = 	snop  }
0x90: {  	s18 =	sld [smem:$0x3FC2];
	(tm) =	ssettm $0x1  }
0x91: {  	s19 =	sld [smem:$0x3FFB];
	_ =	sdelay $0x3  }
0x92: {  	_ =	strace s19  }
0x93: {  	s2 =	sld [smem:$0x3FFC];
	_ =	sdelay $0x3  }
0x94: {  	_ =	strace s2  }
0x95: {  	s2 =	sld [smem:$0x3FFD];
	_ =	sdelay $0x3  }
0x96: {  	_ =	strace s2  }
0x97: {  	_ =	strace $0x8FFFFFFF  }
0x98: {  	s20 =	sld [smem:$0x3FDB];
	_ =	sdelay $0x1  }
0x99: {  	s4 =	simm.s32 $_scs_section_size  }
0x9a: {  	s5 =	simm.s32 $_size__tile_overlayer_lowered;
	s6 =	simm.s32 $_tile_overlayer_lowered  }
0x9b: {  	s7 =	simm.s32 $0x1BFF;
	s21 =	sshll.u32 s6, $0x1;
	s4 =	sadd.s32 s4, s20  }
0x9c: {  	s22 =	simm.s32 $0x0;
	s5 =	sshll.u32 s5, $0x1;
	s6 =	sadd.s32 s21, s4  }
0x9d: {  	[timem:s22], [sflag:s7] =	dma.local [hbm:s6], s5  }
0x9e: {  	_ =	swait.ge [sflag:s7], s5  }
0x9f: {  	s5 =	ssub.s32 $0x0, s5;
	[sflag:s7] =	ssyncset.done $0x0  }
0xa0: {  	[sflag:s7] =	ssyncadd.s32 s5;
	_ =	sdelay $0x1  }
0xa1: {  	s23 =	simm.s32 $0x1B8B  }
0xa2: {  	_ =	swait.ge [sflag:s23], $0x1  }
0xa3: {  	[sflag:s23] =	ssyncset.done $0x0  }
0xa4: {  	[sflag:s23] =	ssyncadd.s32 $0xFFFFFFFF  }
0xa5: {  	s5 =	sld [smem:$0x0]  }
0xa6: {  	s6 =	sand.u32 $0xFFFFFFFE, s1  }
0xa7: {  	p0 =	sne.s32 s1, s6  }
0xa8: {  	s6 =	sshll.u32 @p0 s6, $0xE  }
0xa9: {  	s6 =	sadd.s32 @p0 $0x11B8D, s6;
	s7 =	sshll.u32 @p0 s5, $0x11  }
0xaa: {  	s6 =	sor.u32 @p0 s7, s6  }
0xab: {  	[sflag:s6] =	ssyncadd.remote.s32 @p0 $0x1;
	_ =	sdelay $0x1  }
0xac: {  	s6 =	simm.s32 @p0 $0x1B8D  }
0xad: {  	_ =	swait.eq @p0 [sflag:s6], $0x1  }
0xae: {  	[sflag:s6] =	ssyncadd.s32 @p0 $0xFFFFFFFF  }
0xaf: {  	s7 =	sshll.u32 @!p0 s1, $0xE  }
0xb0: {  	s7 =	sor.u32 @!p0 $0x4000, s7;
	s6 =	simm.s32 @!p0 $0x1B8D  }
0xb1: {  	s5 =	sshll.u32 @!p0 s5, $0x11;
	s7 =	sadd.s32 @!p0 $0x11B8D, s7;
	_ =	swait.eq @!p0 [sflag:s6], $0x1  }
0xb2: {  	s5 =	sor.u32 @!p0 s5, s7;
	[sflag:s6] =	ssyncadd.s32 @!p0 $0xFFFFFFFF  }
0xb3: {  	s25 =	simm.s32 $0x1B8E;
	s24 =	sld [smem:$0x3FFE];
	[sflag:s5] =	ssyncadd.remote.s32 @!p0 $0x1  }
0xb4: {  	s26 =	simm.s32 $execute0_lowered;
	[smem:$0x3FD2] =	sst s25  }
0xb5: {  	s6 =	sshll.u32 s26, $0x1;
	_ =	strace $0x80000049;
	[dreg:$0x1] =	wrdreg $0xFFFFFFFF  }
0xb6: {  	s28 =	simm.s32 $_size_execute0_lowered;
	s4 =	sadd.s32 s4, s6;
	[dreg:$0x0] =	wrdreg $0x0  }
0xb7: {  	s6 =	sshll.u32 s28, $0x1;
	[dreg:$0x2] =	wrdreg s4  }
0xb8: {  	[dreg:$0x3] =	wrdreg s6  }
0xb9: {  	[dreg:$0x4] =	wrdreg $0xC0  }
0xba: {  	_ =	task [dreg:s22], $0x5FFFF  }
0xbb: {  	[dreg:$0x1] =	wrdreg $0xFFFFFFFF  }
0xbc: {  	[dreg:$0x0] =	wrdreg $0x60  }
0xbd: {  	[dreg:$0x2] =	wrdreg s24  }
0xbe: {  	[dreg:$0x3] =	wrdreg s18  }
0xbf: {  	[dreg:$0x4] =	wrdreg $0xB5000  }
0xc0: {  	[dreg:$0x5] =	wrdreg $0x9  }
0xc1: {  	_ =	task.clear_ibuf [dreg:s22], $0x6FFFF;
	_ =	strace $0x90000049  }
0xc2: {  	s29 =	simm.s32 $0x9;
	_ =	strace $0x8000004B  }
0xc3: {  	_ =	swait.ge [sflag:s29], $0x1  }
0xc4: {  	[sflag:s29] =	ssyncadd.s32 $0xFFFFFFFF  }
0xc5: {  	_ =	strace $0x9000004B  }
0xc6: {  	_ =	sfence  }
0xc7: {  	s30 =	sld [smem:$0x0];
	_ =	sdelay $0x2  }
0xc8: {  	s31 =	sshll.u32 s1, $0xD;
	s1 =	sshrl.u32 s1, $0x2  }
0xc9: {  	s4 =	sand.u32 $0x4000, s31;
	s1 =	sadd.s32 s1, s30  }
0xca: {  	s0 =	sor.u32 s4, s0;
	s1 =	sshll.u32 s1, $0x11  }
0xcb: {  	s0 =	sor.u32 s1, s0  }
0xcc: {  	s0 =	sadd.s32 $0x8F2B, s0  }
0xcd: {  	[sflag:s0] =	ssyncadd.remote.s32 $0x1  }
0xce: {  	_ =	sfence.sel $0xFFFF  }
0xcf: {  	[dreg:$0x0] =	wrdreg $0xFFFFFFFF;
	(pc) =	sbr.abs _section_cstart, $3  }
0xd0: {  	[dreg:$0x1] =	wrdreg $0xFFFFFFFF  }
0xd1: {  	_ =	task.clear_ibuf [dreg:s22], $0x2FFFF;
	_ =	strace $0x9FFFFFFF  }
0xd2: {  	(tm) =	ssettm $0x7FFFFFFF  }
0xd3: {  	_ =	shalt  }
tec
execute0_lowered:
.L_overlay_start_1:
0x0: {  	(tag) =	ssettag $0x1  }
0x1: {  	s25 =	stileid.u32  }
0x2: {  	s5 =	smul.u32 $0x19000, s25  }
0x3: {  	s13 =	smul.u32 $0x4E20, s25  }
0x4: {  	s24 =	smul.u32 $0x6400, s25  }
0x5: {  	s1 =	rddreg [dreg:$0x0];
	s6 =	sor.u32 $0x10, s25;
	s21 =	smul.u32 $0x271000, s25  }
0x6: {  	s0 =	rddreg [dreg:$0x1];
	s8 =	sor.u32 $0x20, s25;
	s7 =	smul.u32 $0x19000, s6  }
0x7: {  	s11 =	srdreg.scid;
	s10 =	sor.u32 $0x30, s25;
	s9 =	smul.u32 $0x19000, s8  }
0x8: {  	s2 =	rddreg [dreg:$0x2];
	s11 =	sand.u32 $0x1, s11;
	s12 =	smul.u32 $0x19000, s10  }
0x9: {  	s3 =	simm.s32 $0x0;
	s30 =	simm.s32 $0x5100;
	s15 =	smul.u32 $0x4E20000, s11  }
0xa: {  	s31 =	simm.s32 $0x5;
	[smem:$0x7FF] =	sst s3;
	s17 =	smul.u32 $0x271000, s11  }
0xb: {  	s4 =	sadd.s32 $0x9C5200, s1;
	s1 =	sadd.s32 $0x4F200, s1;
	s18 =	smul.u32 $0x6400, s6  }
0xc: {  	p0 =	sgt.u32 s25, $0x1;
	_ =	strace $0x8000004A;
	s8 =	smul.u32 $0x6400, s8  }
0xd: {  	s14 =	ssub.s32 $0x2, s11;
	s10 =	smul.u32 $0x6400, s10;
	s11 =	sshllo.u32 s11, $0x1  }
0xe: {  	s16 =	sshrl.u32 s14, $0x1;
	s5 =	sshrl.u32 s5, $0x2;
	s20 =	smul.u32 $0x138800, s11  }
0xf: {  	s11 =	smul.u32 $0x2710000, s11;
	s14 =	ssub.s32 s14, s16;
	s26 =	sadd.s32 s5, s2  }
0x10: {  	s7 =	sshrl.u32 s7, $0x2;
	s9 =	sshrl.u32 s9, $0x2;
	s19 =	sadd.s32 s24, s17  }
0x11: {  	s22 =	sadd.s32 s17, s18;
	s23 =	sadd.s32 s7, s2;
	s7 =	sadd.s32 s9, s2  }
0x12: {  	s9 =	sshrl.u32 s12, $0x2;
	s12 =	sshrl.u32 s13, $0x3;
	s19 =	sshrl.u32 s19, $0x3  }
0x13: {  	s16 =	sadd.s32 s24, s20;
	s18 =	sadd.s32 s18, s20;
	s5 =	sshrl.u32 s22, $0x3  }
0x14: {  	[dreg:$0x4] =	wrdreg s23;
	s23 =	sadd.s32 s17, s8;
	s17 =	sadd.s32 s17, s10  }
0x15: {  	s8 =	sadd.s32 s8, s20;
	s10 =	sadd.s32 s10, s20;
	s20 =	sadd.s32 s21, s15  }
0x16: {  	s24 =	sadd.s32 s1, s19;
	s19 =	sadd.s32 s1, s5;
	s16 =	sshrl.u32 s16, $0x3  }
0x17: {  	s18 =	sshrl.u32 s18, $0x3;
	[dreg:$0x5] =	wrdreg s24;
	s6 =	sshrl.u32 s23, $0x3  }
0x18: {  	s17 =	sshrl.u32 s17, $0x3;
	[dreg:$0x6] =	wrdreg s19;
	s24 =	sadd.s32 s1, s16  }
0x19: {  	s8 =	sshrl.u32 s8, $0x3;
	s22 =	sadd.s32 s1, s6;
	[dreg:$0x9] =	wrdreg s24  }
0x1a: {  	s16 =	sshrl.u32 s10, $0x3;
	s23 =	sadd.s32 s1, s17;
	[dreg:$0x7] =	wrdreg s22  }
0x1b: {  	s17 =	sadd.s32 s21, s11;
	s6 =	sadd.s32 s1, s18;
	[dreg:$0x8] =	wrdreg s23  }
0x1c: {  	s8 =	sadd.s32 s1, s8;
	s18 =	sadd.s32 $0x4DD0, s13;
	[dreg:$0xa] =	wrdreg s6  }
0x1d: {  	s1 =	sadd.s32 s1, s16;
	s16 =	sadd.s32 s9, s2;
	[dreg:$0xb] =	wrdreg s8  }
0x1e: {  	s24 =	sshrl.u32 s20, $0x3;
	s9 =	smax.u32 s14, $0x1;
	[dreg:$0xc] =	wrdreg s1  }
0x1f: {  	s19 =	sshrl.u32 s18, $0x3;
	s21 =	sshll.u32 s18, $0x7;
	s22 =	smul.u32 $0x9C4, s25  }
0x20: {  	s23 =	sadd.s32 s0, s12;
	s5 =	sshrl.u32 s17, $0x3;
	s1 =	sadd.s32 s4, s24  }
0x21: {  	[dreg:$0x10] =	wrdreg s9;
	s12 =	sadd.s32 $0x2800, s20;
	s17 =	sadd.s32 $0x2715000, s20  }
0x22: {  	s9 =	simm.s32 $0x50;
	s10 =	sadd.s32 s15, s21;
	[dreg:$0xd] =	wrdreg s23  }
0x23: {  	s8 =	sadd.s32 s11, s21;
	s18 =	sadd.s32 s0, s19;
	[dreg:$0xe] =	wrdreg s1  }
0x24: {  	s6 =	sadd.s32 s4, s5;
	s14 =	sshrl.u32 s12, $0x3;
	s15 =	sadd.s32 $0x2712800, s20  }
0x25: {  	s21 =	sshrl.u32 s17, $0x3;
	s12 =	simm.s32 $0x1;
	s0 =	sadd.s32 s22, s0  }
0x26: {  	[dreg:$0xf] =	wrdreg s6;
	s11 =	sshrl.u32 s10, $0x3;
	s8 =	sshrl.u32 s8, $0x3  }
0x27: {  	s24 =	sadd.s32 s14, s4;
	s19 =	sshrl.u32 s15, $0x3;
	s22 =	sadd.s32 $0x5000, s20  }
0x28: {  	s29 =	sadd.s32 s21, s4;
	s10 =	simm.s32 $0x3;
	s14 =	simm.s32 $0x0  }
0x29: {  	s1 =	sadd.s32 s4, s11;
	s13 =	sadd.s32 s4, s8;
	s23 =	sadd.s32 $0xA, s0  }
0x2a: {  	[dreg:$0x13] =	wrdreg s22;
	s28 =	sadd.s32 s19, s4;
	s0 =	simm.s32 $0x100  }
0x2b: {  	s8 =	simm.s32 $0x2900;
	s11 =	simm.s32 $0x4;
	[dreg:$0x11] =	wrdreg s1  }
0x2c: {  	v0 =	vimm.f32 $0.0e+00;
	[dreg:$0x12] =	wrdreg s13;
	s1 =	simm.s32 $0x80;
	s13 =	simm.s32 $0x2  }
.LBB2_1:
0x2d: {  	s15 =	sand.u32 $0x1FE00, s3  }
0x2e: {  	s17 =	sand.u32 $0x10, s3;
	s19 =	sshrl.u32 s15, $0x2  }
0x2f: {  	s15 =	simm.s32 $0x100;
	s19 =	sor.u32 s17, s19;
	s17 =	simm.s32 $0x0  }
.LBB2_2:
0x30: {  	p1 =	sne.s32 s15, $0x18F00  }
0x31: {  	[tilespmem:s19+$0x5100] =	vst v0;
	s17 =	sadd.s32 $0x10, s17;
	s19 =	smov.u32 s15;
	s15 =	sadd.s32 $0x100, s15  }
.Ltmp0:
0x32: {  	(pc) =	sbr.rel @p1 .LBB2_2-.Ltmp0, $4  }
0x33: {  	_ = 	snop  }
0x34: {  	s19 =	sand.u32 $0x1FE00, s19  }
0x35: {  	s20 =	sand.u32 $0x10, s17;
	s19 =	sshrl.u32 s19, $0x2  }
0x36: {  	s19 =	sor.u32 s20, s19  }
0x37: {  	[tilespmem:s19+$0x5100] =	vst v0  }
0x38: {  	[spmem:s26] =	stream.linear.scatter [tilespmem:s30], [sflag:$0x5], $0x6400, $0x38;
	[tilespmem:$0x10320] =	vst v63  }
0x39: {  	_ =	swait.ge [sflag:s31], $0x6400  }
0x3a: {  	[sflag:s31] =	ssyncset.done $0x0  }
0x3b: {  	s5 =	rddreg [dreg:$0x4];
	[sflag:s31] =	ssyncadd.s32 $0xFFFF9C00  }
0x3c: {  	[spmem:s5] =	stream.linear.scatter [tilespmem:s30], [sflag:$0x5], $0x6400, $0x38;
	[tilespmem:$0x10320] =	vst v63  }
0x3d: {  	_ =	swait.ge [sflag:s31], $0x6400  }
0x3e: {  	[sflag:s31] =	ssyncset.done $0x0  }
0x3f: {  	[sflag:s31] =	ssyncadd.s32 $0xFFFF9C00  }
0x40: {  	[spmem:s7] =	stream.linear.scatter [tilespmem:s30], [sflag:$0x5], $0x6400, $0x38;
	[tilespmem:$0x10320] =	vst v63  }
0x41: {  	_ =	swait.ge [sflag:s31], $0x6400  }
0x42: {  	[sflag:s31] =	ssyncset.done $0x0  }
0x43: {  	s15 =	simm.s32 @!p0 $0x5100;
	[sflag:s31] =	ssyncadd.s32 $0xFFFF9C00  }
0x44: {  	[spmem:s16] =	stream.linear.scatter @!p0 [tilespmem:s15], [sflag:$0x5], $0x6400, $0x38;
	[tilespmem:$0x10320] =	vst v63  }
0x45: {  	s15 =	simm.s32 @!p0 $0x5  }
0x46: {  	_ =	swait.ge @!p0 [sflag:s15], $0x6400  }
0x47: {  	[sflag:s15] =	ssyncset.done @!p0 $0x0  }
0x48: {  	[sflag:s15] =	ssyncadd.s32 @!p0 $0xFFFF9C00  }
0x49: {  	[bflag:$0x0] =	sbarrier.arrive $0xFFFF  }
0x4a: {  	s19 =	simm.s32 $0x0;
	s20 =	rddreg [dreg:$0xd]  }
0x4b: {  	[tilespmem:s19], [sflag:$0x5] =	stream.linear.gather [hbm4b:s20+s19], $0x50, $0x38;
	[tilespmem:$0x10320] =	vst v63  }
0x4c: {  	_ =	swait.ge [sflag:s31], $0x50  }
0x4d: {  	[sflag:s31] =	ssyncset.done $0x0  }
0x4e: {  	s21 =	rddreg [dreg:$0xe];
	[sflag:s31] =	ssyncadd.s32 $0xFFFFFFB0  }
0x4f: {  	[tilespmem:s0], [sflag:$0x5] =	stream.linear.gather [hbm4b:s21+s19], $0x2800, $0x38;
	[tilespmem:$0x10320] =	vst v63  }
0x50: {  	_ =	swait.ge [sflag:s31], $0x2800  }
0x51: {  	[sflag:s31] =	ssyncset.done $0x0  }
0x52: {  	[sflag:s31] =	ssyncadd.s32 $0xFFFFD800  }
0x53: {  	[tilespmem:s1], [sflag:$0x3] =	stream.linear.gather [hbm4b:s23+s3], $0x50, $0x38;
	[tilespmem:$0x10320] =	vst v63  }
0x54: {  	s22 =	sadd.s32 $0x0, s24  }
0x55: {  	[tilespmem:s8], [sflag:$0x4] =	stream.linear.gather [hbm4b:s22+s3], $0x2800, $0x38;
	[tilespmem:$0x10320] =	vst v63  }
0x56: {  	_ = 	snop  }
0x57: {  	[spmem:s2] =	stream.indirect.scatter.add.f32 [tilespmem:s0], [sflag:$0x5], $0x20, s3, s9, $0xb8;
	[tilespmem:$0x10320] =	vst v63  }
0x58: {  	_ =	swait.ge [sflag:s31], $0xA00  }
0x59: {  	[sflag:s31] =	ssyncset.done $0x0  }
0x5a: {  	[sflag:s31] =	ssyncadd.s32 $0xFFFFF600  }
0x5b: {  	_ =	swait.ge [sflag:s10], $0x50  }
0x5c: {  	[sflag:s10] =	ssyncset.done $0x0  }
0x5d: {  	[sflag:s10] =	ssyncadd.s32 $0xFFFFFFB0  }
0x5e: {  	_ =	swait.ge [sflag:s11], $0x2800  }
0x5f: {  	[sflag:s11] =	ssyncset.done $0x0;
	s20 =	rddreg [dreg:$0x13]  }
0x60: {  	s19 =	sadd.s32 $0xA, s23;
	[sflag:s11] =	ssyncadd.s32 $0xFFFFD800;
	s25 =	sshrl.u32 s20, $0x3  }
0x61: {  	[tilespmem:s3], [sflag:$0x1] =	stream.linear.gather [hbm4b:s19+s3], $0x50, $0x38;
	[tilespmem:$0x10320] =	vst v63  }
0x62: {  	s15 =	sadd.s32 s4, s25  }
0x63: {  	[tilespmem:s0], [sflag:$0x2] =	stream.linear.gather [hbm4b:s15+s3], $0x2800, $0x38;
	[tilespmem:$0x10320] =	vst v63  }
0x64: {  	_ = 	snop  }
0x65: {  	[spmem:s2] =	stream.indirect.scatter.add.f32 [tilespmem:s8], [sflag:$0x5], $0x20, s1, s9, $0xb8;
	[tilespmem:$0x10320] =	vst v63  }
0x66: {  	_ =	swait.ge [sflag:s31], $0xA00  }
0x67: {  	[sflag:s31] =	ssyncset.done $0x0  }
0x68: {  	[sflag:s31] =	ssyncadd.s32 $0xFFFFF600  }
0x69: {  	_ =	swait.ge [sflag:s12], $0x50  }
0x6a: {  	[sflag:s12] =	ssyncset.done $0x0  }
0x6b: {  	[sflag:s12] =	ssyncadd.s32 $0xFFFFFFB0  }
0x6c: {  	_ =	swait.ge [sflag:s13], $0x2800  }
0x6d: {  	s17 =	smov.u32 s23;
	s15 =	simm.s32 $0xA00;
	[sflag:s13] =	ssyncset.done $0x0  }
.LBB2_4:
0x6e: {  	[sflag:s13] =	ssyncadd.s32 $0xFFFFD800;
	s17 =	sadd.s32 $0x14, s17;
	s20 =	sadd.s32 $0x5000, s20  }
0x6f: {  	[tilespmem:s1], [sflag:$0x3] =	stream.linear.gather [hbm4b:s17+s3], $0x50, $0x38;
	[tilespmem:$0x10320] =	vst v63  }
0x70: {  	s21 =	sadd.s32 s15, s24;
	p1 =	sne.s32 s15, $0x4CE00;
	s15 =	sadd.s32 $0xA00, s15  }
0x71: {  	[tilespmem:s8], [sflag:$0x4] =	stream.linear.gather [hbm4b:s21+s3], $0x2800, $0x38;
	[tilespmem:$0x10320] =	vst v63  }
0x72: {  	_ = 	snop  }
0x73: {  	[spmem:s2] =	stream.indirect.scatter.add.f32 [tilespmem:s0], [sflag:$0x5], $0x20, s3, s9, $0xb8;
	[tilespmem:$0x10320] =	vst v63  }
0x74: {  	_ =	swait.ge [sflag:s31], $0xA00  }
0x75: {  	[sflag:s31] =	ssyncset.done $0x0  }
0x76: {  	[sflag:s31] =	ssyncadd.s32 $0xFFFFF600  }
0x77: {  	_ =	swait.ge [sflag:s10], $0x50  }
0x78: {  	[sflag:s10] =	ssyncset.done $0x0  }
0x79: {  	[sflag:s10] =	ssyncadd.s32 $0xFFFFFFB0  }
0x7a: {  	_ =	swait.ge [sflag:s11], $0x2800  }
0x7b: {  	[sflag:s11] =	ssyncset.done $0x0  }
0x7c: {  	s22 =	sshrl.u32 s20, $0x3;
	s21 =	sadd.s32 $0xA, s17;
	[sflag:s11] =	ssyncadd.s32 $0xFFFFD800  }
0x7d: {  	[tilespmem:s3], [sflag:$0x1] =	stream.linear.gather [hbm4b:s21+s3], $0x50, $0x38;
	[tilespmem:$0x10320] =	vst v63  }
0x7e: {  	s21 =	sadd.s32 s4, s22  }
0x7f: {  	[tilespmem:s0], [sflag:$0x2] =	stream.linear.gather [hbm4b:s21+s3], $0x2800, $0x38;
	[tilespmem:$0x10320] =	vst v63  }
0x80: {  	_ = 	snop  }
0x81: {  	[spmem:s2] =	stream.indirect.scatter.add.f32 [tilespmem:s8], [sflag:$0x5], $0x20, s1, s9, $0xb8;
	[tilespmem:$0x10320] =	vst v63  }
0x82: {  	_ =	swait.ge [sflag:s31], $0xA00  }
0x83: {  	[sflag:s31] =	ssyncset.done $0x0  }
0x84: {  	[sflag:s31] =	ssyncadd.s32 $0xFFFFF600  }
.Ltmp1:
0x85: {  	_ =	swait.ge [sflag:s12], $0x50;
	(pc) =	sbr.rel @p1 .LBB2_4-.Ltmp1, $4  }
0x86: {  	[sflag:s12] =	ssyncset.done $0x0  }
0x87: {  	[sflag:s12] =	ssyncadd.s32 $0xFFFFFFB0  }
0x88: {  	_ =	swait.ge [sflag:s13], $0x2800  }
0x89: {  	[sflag:s13] =	ssyncset.done $0x0  }
0x8a: {  	[sflag:s13] =	ssyncadd.s32 $0xFFFFD800  }
0x8b: {  	[tilespmem:s1], [sflag:$0x3] =	stream.linear.gather [hbm4b:s18+s3], $0x50, $0x38;
	[tilespmem:$0x10320] =	vst v63  }
0x8c: {  	s5 =	rddreg [dreg:$0x11]  }
0x8d: {  	[tilespmem:s8], [sflag:$0x4] =	stream.linear.gather [hbm4b:s5+s3], $0x2800, $0x38;
	[tilespmem:$0x10320] =	vst v63  }
0x8e: {  	_ = 	snop  }
0x8f: {  	[spmem:s2] =	stream.indirect.scatter.add.f32 [tilespmem:s0], [sflag:$0x5], $0x20, s3, s9, $0xb8;
	[tilespmem:$0x10320] =	vst v63  }
0x90: {  	_ =	swait.ge [sflag:s31], $0xA00  }
0x91: {  	[sflag:s31] =	ssyncset.done $0x0  }
0x92: {  	[sflag:s31] =	ssyncadd.s32 $0xFFFFF600  }
0x93: {  	_ =	swait.ge [sflag:s10], $0x50  }
0x94: {  	[sflag:s10] =	ssyncset.done $0x0  }
0x95: {  	[sflag:s10] =	ssyncadd.s32 $0xFFFFFFB0  }
0x96: {  	_ =	swait.ge [sflag:s11], $0x2800  }
0x97: {  	[sflag:s11] =	ssyncset.done $0x0  }
0x98: {  	[sflag:s11] =	ssyncadd.s32 $0xFFFFD800  }
0x99: {  	[tilespmem:s3], [sflag:$0x1] =	stream.linear.gather [hbm4b:s18+s3], $0x50, $0x38;
	[tilespmem:$0x10320] =	vst v63  }
0x9a: {  	_ = 	snop  }
0x9b: {  	[tilespmem:s0], [sflag:$0x2] =	stream.linear.gather [hbm4b:s5+s3], $0x2800, $0x38;
	[tilespmem:$0x10320] =	vst v63  }
0x9c: {  	_ = 	snop  }
0x9d: {  	[spmem:s2] =	stream.indirect.scatter.add.f32 [tilespmem:s8], [sflag:$0x5], $0x20, s1, s9, $0xb8;
	[tilespmem:$0x10320] =	vst v63  }
0x9e: {  	_ =	swait.ge [sflag:s31], $0xA00  }
0x9f: {  	[sflag:s31] =	ssyncset.done $0x0  }
0xa0: {  	[sflag:s31] =	ssyncadd.s32 $0xFFFFF600  }
0xa1: {  	_ =	swait.ge [sflag:s12], $0x50  }
0xa2: {  	[sflag:s12] =	ssyncset.done $0x0  }
0xa3: {  	[sflag:s12] =	ssyncadd.s32 $0xFFFFFFB0  }
0xa4: {  	_ =	swait.ge [sflag:s13], $0x2800  }
0xa5: {  	[sflag:s13] =	ssyncset.done $0x0  }
0xa6: {  	s21 =	stileid.u32;
	[sflag:s13] =	ssyncadd.s32 $0xFFFFD800  }
0xa7: {  	s15 =	sshll.u32 s21, $0x6;
	[bflag:$0x0] =	sbarrier.arrive $0xFFFF  }
0xa8: {  	s20 =	sshrl.u32 s26, $0x3;
	s15 =	sor.u32 $0x1C05, s15;
	s22 =	rddreg [dreg:$0x5]  }
0xa9: {  	[hbm:s22], [sflag:s15] =	dma.local [spmem:s20], $0xC80  }
0xaa: {  	_ =	swait.ge [sflag:s31], $0xC80  }
0xab: {  	[sflag:s31] =	ssyncset.done $0x0;
	s5 =	rddreg [dreg:$0x4]  }
0xac: {  	s6 =	rddreg [dreg:$0x6];
	[sflag:s31] =	ssyncadd.s32 $0xFFFFF380;
	s21 =	sshrl.u32 s5, $0x3  }
0xad: {  	[hbm:s6], [sflag:s15] =	dma.local [spmem:s21], $0xC80  }
0xae: {  	_ =	swait.ge [sflag:s31], $0xC80  }
0xaf: {  	[sflag:s31] =	ssyncset.done $0x0  }
0xb0: {  	s17 =	sshrl.u32 s7, $0x3;
	s25 =	rddreg [dreg:$0x7];
	[sflag:s31] =	ssyncadd.s32 $0xFFFFF380  }
0xb1: {  	[hbm:s25], [sflag:s15] =	dma.local [spmem:s17], $0xC80  }
0xb2: {  	_ =	swait.ge [sflag:s31], $0xC80  }
0xb3: {  	s22 =	sshrl.u32 @!p0 s16, $0x3;
	[sflag:s31] =	ssyncset.done $0x0  }
0xb4: {  	s25 =	simm.s32 @!p0 $0x5;
	s6 =	rddreg [dreg:$0x8];
	[sflag:s31] =	ssyncadd.s32 $0xFFFFF380  }
0xb5: {  	[hbm:s6], [sflag:s15] =	dma.local @!p0 [spmem:s22], $0xC80  }
0xb6: {  	_ =	swait.ge @!p0 [sflag:s25], $0xC80  }
0xb7: {  	[sflag:s25] =	ssyncset.done @!p0 $0x0  }
0xb8: {  	[sflag:s25] =	ssyncadd.s32 @!p0 $0xFFFFF380  }
0xb9: {  	[bflag:$0x0] =	sbarrier.arrive $0xFFFF  }
0xba: {  	[spmem:s26] =	stream.linear.scatter [tilespmem:s30], [sflag:$0x5], $0x6400, $0x38;
	[tilespmem:$0x10320] =	vst v63  }
0xbb: {  	_ =	swait.ge [sflag:s31], $0x6400  }
0xbc: {  	[sflag:s31] =	ssyncset.done $0x0  }
0xbd: {  	[sflag:s31] =	ssyncadd.s32 $0xFFFF9C00  }
0xbe: {  	[spmem:s5] =	stream.linear.scatter [tilespmem:s30], [sflag:$0x5], $0x6400, $0x38;
	[tilespmem:$0x10320] =	vst v63  }
0xbf: {  	_ =	swait.ge [sflag:s31], $0x6400  }
0xc0: {  	[sflag:s31] =	ssyncset.done $0x0  }
0xc1: {  	[sflag:s31] =	ssyncadd.s32 $0xFFFF9C00  }
0xc2: {  	[spmem:s7] =	stream.linear.scatter [tilespmem:s30], [sflag:$0x5], $0x6400, $0x38;
	[tilespmem:$0x10320] =	vst v63  }
0xc3: {  	_ =	swait.ge [sflag:s31], $0x6400  }
0xc4: {  	[sflag:s31] =	ssyncset.done $0x0  }
0xc5: {  	s6 =	smov.u32 s26;
	s26 =	simm.s32 @!p0 $0x5100;
	[sflag:s31] =	ssyncadd.s32 $0xFFFF9C00  }
0xc6: {  	[spmem:s16] =	stream.linear.scatter @!p0 [tilespmem:s26], [sflag:$0x5], $0x6400, $0x38;
	[tilespmem:$0x10320] =	vst v63  }
0xc7: {  	_ =	swait.ge @!p0 [sflag:s25], $0x6400  }
0xc8: {  	[sflag:s25] =	ssyncset.done @!p0 $0x0  }
0xc9: {  	[sflag:s25] =	ssyncadd.s32 @!p0 $0xFFFF9C00  }
0xca: {  	[bflag:$0x0] =	sbarrier.arrive $0xFFFF  }
0xcb: {  	s25 =	simm.s32 $0x0;
	s26 =	rddreg [dreg:$0xd]  }
0xcc: {  	[tilespmem:s25], [sflag:$0x5] =	stream.linear.gather [hbm4b:s26+s25], $0x50, $0x38;
	[tilespmem:$0x10320] =	vst v63  }
0xcd: {  	_ =	swait.ge [sflag:s31], $0x50  }
0xce: {  	[sflag:s31] =	ssyncset.done $0x0  }
0xcf: {  	s26 =	rddreg [dreg:$0xf];
	[sflag:s31] =	ssyncadd.s32 $0xFFFFFFB0  }
0xd0: {  	[tilespmem:s0], [sflag:$0x5] =	stream.linear.gather [hbm4b:s26+s25], $0x2800, $0x38;
	[tilespmem:$0x10320] =	vst v63  }
0xd1: {  	_ =	swait.ge [sflag:s31], $0x2800  }
0xd2: {  	[sflag:s31] =	ssyncset.done $0x0  }
0xd3: {  	[sflag:s31] =	ssyncadd.s32 $0xFFFFD800  }
0xd4: {  	[tilespmem:s1], [sflag:$0x3] =	stream.linear.gather [hbm4b:s23+s3], $0x50, $0x38;
	[tilespmem:$0x10320] =	vst v63  }
0xd5: {  	s5 =	sadd.s32 $0x0, s28  }
0xd6: {  	[tilespmem:s8], [sflag:$0x4] =	stream.linear.gather [hbm4b:s5+s3], $0x2800, $0x38;
	[tilespmem:$0x10320] =	vst v63  }
0xd7: {  	_ = 	snop  }
0xd8: {  	[spmem:s2] =	stream.indirect.scatter.add.f32 [tilespmem:s0], [sflag:$0x5], $0x20, s3, s9, $0xb8;
	[tilespmem:$0x10320] =	vst v63  }
0xd9: {  	_ =	swait.ge [sflag:s31], $0xA00  }
0xda: {  	[sflag:s31] =	ssyncset.done $0x0  }
0xdb: {  	[sflag:s31] =	ssyncadd.s32 $0xFFFFF600  }
0xdc: {  	_ =	swait.ge [sflag:s10], $0x50  }
0xdd: {  	[sflag:s10] =	ssyncset.done $0x0  }
0xde: {  	[sflag:s10] =	ssyncadd.s32 $0xFFFFFFB0  }
0xdf: {  	_ =	swait.ge [sflag:s11], $0x2800  }
0xe0: {  	[sflag:s11] =	ssyncset.done $0x0  }
0xe1: {  	[sflag:s11] =	ssyncadd.s32 $0xFFFFD800  }
0xe2: {  	[tilespmem:s3], [sflag:$0x1] =	stream.linear.gather [hbm4b:s19+s3], $0x50, $0x38;
	[tilespmem:$0x10320] =	vst v63  }
0xe3: {  	s26 =	sadd.s32 $0x0, s29  }
0xe4: {  	[tilespmem:s0], [sflag:$0x2] =	stream.linear.gather [hbm4b:s26+s3], $0x2800, $0x38;
	[tilespmem:$0x10320] =	vst v63  }
0xe5: {  	_ = 	snop  }
0xe6: {  	[spmem:s2] =	stream.indirect.scatter.add.f32 [tilespmem:s8], [sflag:$0x5], $0x20, s1, s9, $0xb8;
	[tilespmem:$0x10320] =	vst v63  }
0xe7: {  	_ =	swait.ge [sflag:s31], $0xA00  }
0xe8: {  	[sflag:s31] =	ssyncset.done $0x0  }
0xe9: {  	[sflag:s31] =	ssyncadd.s32 $0xFFFFF600  }
0xea: {  	_ =	swait.ge [sflag:s12], $0x50  }
0xeb: {  	[sflag:s12] =	ssyncset.done $0x0  }
0xec: {  	[sflag:s12] =	ssyncadd.s32 $0xFFFFFFB0  }
0xed: {  	_ =	swait.ge [sflag:s13], $0x2800  }
0xee: {  	s25 =	smov.u32 s23;
	s19 =	simm.s32 $0xA00;
	[sflag:s13] =	ssyncset.done $0x0  }
.LBB2_6:
0xef: {  	p1 =	sne.s32 s19, $0x4CE00;
	[sflag:s13] =	ssyncadd.s32 $0xFFFFD800;
	s25 =	sadd.s32 $0x14, s25  }
0xf0: {  	[tilespmem:s1], [sflag:$0x3] =	stream.linear.gather [hbm4b:s25+s3], $0x50, $0x38;
	[tilespmem:$0x10320] =	vst v63  }
0xf1: {  	s26 =	sadd.s32 s19, s28;
	s5 =	smov.u32 s19;
	s19 =	sadd.s32 $0xA00, s19  }
0xf2: {  	[tilespmem:s8], [sflag:$0x4] =	stream.linear.gather [hbm4b:s26+s3], $0x2800, $0x38;
	[tilespmem:$0x10320] =	vst v63  }
0xf3: {  	_ = 	snop  }
0xf4: {  	[spmem:s2] =	stream.indirect.scatter.add.f32 [tilespmem:s0], [sflag:$0x5], $0x20, s3, s9, $0xb8;
	[tilespmem:$0x10320] =	vst v63  }
0xf5: {  	_ =	swait.ge [sflag:s31], $0xA00  }
0xf6: {  	[sflag:s31] =	ssyncset.done $0x0  }
0xf7: {  	[sflag:s31] =	ssyncadd.s32 $0xFFFFF600  }
0xf8: {  	_ =	swait.ge [sflag:s10], $0x50  }
0xf9: {  	[sflag:s10] =	ssyncset.done $0x0  }
0xfa: {  	[sflag:s10] =	ssyncadd.s32 $0xFFFFFFB0  }
0xfb: {  	_ =	swait.ge [sflag:s11], $0x2800  }
0xfc: {  	[sflag:s11] =	ssyncset.done $0x0  }
0xfd: {  	s26 =	sadd.s32 $0xA, s25;
	[sflag:s11] =	ssyncadd.s32 $0xFFFFD800  }
0xfe: {  	[tilespmem:s3], [sflag:$0x1] =	stream.linear.gather [hbm4b:s26+s3], $0x50, $0x38;
	[tilespmem:$0x10320] =	vst v63  }
0xff: {  	s5 =	sadd.s32 s5, s29  }
0x100: {  	[tilespmem:s0], [sflag:$0x2] =	stream.linear.gather [hbm4b:s5+s3], $0x2800, $0x38;
	[tilespmem:$0x10320] =	vst v63  }
0x101: {  	_ = 	snop  }
0x102: {  	[spmem:s2] =	stream.indirect.scatter.add.f32 [tilespmem:s8], [sflag:$0x5], $0x20, s1, s9, $0xb8;
	[tilespmem:$0x10320] =	vst v63  }
0x103: {  	_ =	swait.ge [sflag:s31], $0xA00  }
0x104: {  	[sflag:s31] =	ssyncset.done $0x0  }
0x105: {  	[sflag:s31] =	ssyncadd.s32 $0xFFFFF600  }
.Ltmp2:
0x106: {  	_ =	swait.ge [sflag:s12], $0x50;
	(pc) =	sbr.rel @p1 .LBB2_6-.Ltmp2, $4  }
0x107: {  	[sflag:s12] =	ssyncset.done $0x0  }
0x108: {  	[sflag:s12] =	ssyncadd.s32 $0xFFFFFFB0  }
0x109: {  	_ =	swait.ge [sflag:s13], $0x2800  }
0x10a: {  	[sflag:s13] =	ssyncset.done $0x0  }
0x10b: {  	[sflag:s13] =	ssyncadd.s32 $0xFFFFD800  }
0x10c: {  	[tilespmem:s1], [sflag:$0x3] =	stream.linear.gather [hbm4b:s18+s3], $0x50, $0x38;
	[tilespmem:$0x10320] =	vst v63  }
0x10d: {  	s5 =	rddreg [dreg:$0x12]  }
0x10e: {  	[tilespmem:s8], [sflag:$0x4] =	stream.linear.gather [hbm4b:s5+s3], $0x2800, $0x38;
	[tilespmem:$0x10320] =	vst v63  }
0x10f: {  	_ = 	snop  }
0x110: {  	[spmem:s2] =	stream.indirect.scatter.add.f32 [tilespmem:s0], [sflag:$0x5], $0x20, s3, s9, $0xb8;
	[tilespmem:$0x10320] =	vst v63  }
0x111: {  	_ =	swait.ge [sflag:s31], $0xA00  }
0x112: {  	[sflag:s31] =	ssyncset.done $0x0  }
0x113: {  	[sflag:s31] =	ssyncadd.s32 $0xFFFFF600  }
0x114: {  	_ =	swait.ge [sflag:s10], $0x50  }
0x115: {  	[sflag:s10] =	ssyncset.done $0x0  }
0x116: {  	[sflag:s10] =	ssyncadd.s32 $0xFFFFFFB0  }
0x117: {  	_ =	swait.ge [sflag:s11], $0x2800  }
0x118: {  	[sflag:s11] =	ssyncset.done $0x0  }
0x119: {  	[sflag:s11] =	ssyncadd.s32 $0xFFFFD800  }
0x11a: {  	[tilespmem:s3], [sflag:$0x1] =	stream.linear.gather [hbm4b:s18+s3], $0x50, $0x38;
	[tilespmem:$0x10320] =	vst v63  }
0x11b: {  	_ = 	snop  }
0x11c: {  	[tilespmem:s0], [sflag:$0x2] =	stream.linear.gather [hbm4b:s5+s3], $0x2800, $0x38;
	[tilespmem:$0x10320] =	vst v63  }
0x11d: {  	_ = 	snop  }
0x11e: {  	[spmem:s2] =	stream.indirect.scatter.add.f32 [tilespmem:s8], [sflag:$0x5], $0x20, s1, s9, $0xb8;
	[tilespmem:$0x10320] =	vst v63  }
0x11f: {  	_ =	swait.ge [sflag:s31], $0xA00  }
0x120: {  	[sflag:s31] =	ssyncset.done $0x0  }
0x121: {  	[sflag:s31] =	ssyncadd.s32 $0xFFFFF600  }
0x122: {  	_ =	swait.ge [sflag:s12], $0x50  }
0x123: {  	[sflag:s12] =	ssyncset.done $0x0  }
0x124: {  	[sflag:s12] =	ssyncadd.s32 $0xFFFFFFB0  }
0x125: {  	_ =	swait.ge [sflag:s13], $0x2800  }
0x126: {  	[sflag:s13] =	ssyncset.done $0x0  }
0x127: {  	[sflag:s13] =	ssyncadd.s32 $0xFFFFD800  }
0x128: {  	[bflag:$0x0] =	sbarrier.arrive $0xFFFF  }
0x129: {  	s19 =	rddreg [dreg:$0x9]  }
0x12a: {  	[hbm:s19], [sflag:s15] =	dma.local [spmem:s20], $0xC80  }
0x12b: {  	_ =	swait.ge [sflag:s31], $0xC80  }
0x12c: {  	[sflag:s31] =	ssyncset.done $0x0  }
0x12d: {  	s20 =	rddreg [dreg:$0xa];
	[sflag:s31] =	ssyncadd.s32 $0xFFFFF380  }
0x12e: {  	[hbm:s20], [sflag:s15] =	dma.local [spmem:s21], $0xC80  }
0x12f: {  	_ =	swait.ge [sflag:s31], $0xC80  }
0x130: {  	[sflag:s31] =	ssyncset.done $0x0  }
0x131: {  	s25 =	rddreg [dreg:$0xb];
	[sflag:s31] =	ssyncadd.s32 $0xFFFFF380  }
0x132: {  	[hbm:s25], [sflag:s15] =	dma.local [spmem:s17], $0xC80  }
0x133: {  	_ =	swait.ge [sflag:s31], $0xC80  }
0x134: {  	[sflag:s31] =	ssyncset.done $0x0  }
0x135: {  	s5 =	rddreg [dreg:$0xc];
	[sflag:s31] =	ssyncadd.s32 $0xFFFFF380  }
0x136: {  	[hbm:s5], [sflag:s15] =	dma.local @!p0 [spmem:s22], $0xC80  }
0x137: {  	s5 =	simm.s32 @!p0 $0x5  }
0x138: {  	_ =	swait.ge @!p0 [sflag:s5], $0xC80  }
0x139: {  	s14 =	sadd.s32 $0x1, s14;
	s26 =	rddreg [dreg:$0x10]  }
0x13a: {  	p1 =	sne.s32 s14, s26  }
.Ltmp3:
0x13b: {  	_ = 	snop;
	(pc) =	sbr.rel @p1 .LBB2_1-.Ltmp3, $4  }
0x13c: {  	[sflag:s5] =	ssyncset.done @!p0 $0x0  }
0x13d: {  	[sflag:s5] =	ssyncadd.s32 @!p0 $0xFFFFF380  }
0x13e: {  	[bflag:$0x0] =	sbarrier.arrive $0xFFFF  }
0x13f: {  	s26 =	smov.u32 s6  }
0x140: {  	_ =	sfence.sel $0x180000  }
0x141: {  	[bflag:$0x0] =	sbarrier.arrive $0xFFFF  }
0x142: {  	_ =	strace $0x9000004A  }
0x143: {  	s0 =	stileid.u32;
	[bflag:$0x2] =	sbarrier.arrive $0xFFFF  }
0x144: {  	p0 =	sne.s32 s0, $0x0;
	s0 =	rddreg [dreg:$0x3]  }
0x145: {  	s0 =	sadd.s32 @!p0 $0x100000, s0  }
0x146: {  	[sflag:s0] =	ssyncadd.tile.s32 @!p0 $0x1;
	_ =	shalt  }
.Lfunc_end2:
_tile_overlayer_lowered:
.L_overlay_start_2:
0x147: {  	(tag) =	ssettag $0x2  }
0x148: {  	s0 =	rddreg [dreg:$0x0];
	s2 =	stileid.u32  }
0x149: {  	s1 =	rddreg [dreg:$0x1];
	p0 =	sne.s32 s2, $0x0  }
0x14a: {  	s3 =	rddreg [dreg:$0x2];
	[bflag:$0x3] =	sbarrier.arrive $0xFFFF;
	s2 =	simm.s32 @!p0 $0x1C05  }
0x14b: {  	[timem:s3], [sflag:s2] =	dma.local @!p0 [hbm:s0], s1  }
0x14c: {  	s0 =	simm.s32 @!p0 $0x5  }
0x14d: {  	_ =	swait.ge @!p0 [sflag:s0], s1  }
0x14e: {  	s1 =	ssub.s32 @!p0 $0x0, s1;
	[sflag:s0] =	ssyncset.done @!p0 $0x0  }
0x14f: {  	[sflag:s0] =	ssyncadd.s32 @!p0 s1  }
0x150: {  	[bflag:$0x3] =	sbarrier.arrive $0xFFFF  }
0x151: {  	_ =	shalt  }

// kernel: kernel.9.cloned.1.call-start
scs
__scs_entry_jumppad:
0x0: {  	(pc) =	sbr.rel $0x88, $3  }
0x1: {  	(tag) =	ssettag $0x0;
	lr =	simm.s32 $0x1  }
0x2: {  	[smem:$0x3F99] =	sst lr;
	_ =	strace $0xD0000000  }
0x3: {  	_ = 	snop  }
0x4: {  	_ = 	snop  }
0x5: {  	_ = 	snop  }
0x6: {  	_ = 	snop  }
0x7: {  	_ = 	snop  }
__scs_overlays_trampoline_lowered:
0x8: {  	[smem:$0x3FA8] =	sst s0  }
0x9: {  	[smem:$0x3FA9] =	sst s1  }
0xa: {  	[smem:$0x3FAA] =	sst s2  }
0xb: {  	[smem:$0x3FAB] =	sst s3  }
0xc: {  	[smem:$0x3FAC] =	sst s4  }
0xd: {  	[smem:$0x3FAD] =	sst s5  }
0xe: {  	[smem:$0x3FAE] =	sst s6  }
0xf: {  	[smem:$0x3FAF] =	sst s7  }
0x10: {  	[smem:$0x3FB0] =	sst s8  }
0x11: {  	[smem:$0x3FB1] =	sst s9;
	s0 =	simm.s32 @!p0 $0x0  }
0x12: {  	s1 =	sld [smem:$0x3F97];
	s0 =	simm.s32 @p0 $0x1  }
0x13: {  	[smem:$0x3FB2] =	sst s0;
	s0 =	simm.s32 @!p1 $0x0  }
0x14: {  	s2 =	sld [smem:$0x3F96];
	s0 =	simm.s32 @p1 $0x1  }
0x15: {  	[smem:$0x3FB3] =	sst s0;
	s0 =	simm.s32 @!p2 $0x0  }
0x16: {  	s3 =	sld [smem:$0x3FDB];
	s0 =	simm.s32 @p2 $0x1  }
0x17: {  	s4 =	simm.s32 $0x1BF5;
	[smem:$0x3FB5] =	sst s0  }
0x18: {  	s0 =	sld [smem:$0x3F98];
	_ =	swait.ge [sflag:s4], $0x0  }
0x19: {  	s7 =	sld [smem:$0x3F99]  }
0x1a: {  	s8 =	sadd.s32 $0xFFFFE003, lr  }
0x1b: {  	s9 =	sadd.s32 $0xFFFFFEF7, lr;
	s5 =	simm.s32 $0xFFFFFFFF;
	p2 =	slt.u32 s8, $0xFFFFF086  }
0x1c: {  	p1 =	slt.u32 s9, $0xF7A;
	s5 =	simm.s32 @!p2 $0x0  }
0x1d: {  	s5 =	simm.s32 @p1 $0x1;
	p0 =	seq.s32 s7, s2  }
0x1e: {  	s7 =	smul.u32 @!p0 $0xF7A, s2;
	p2 =	seq.s32 @!p0 s5, $0x0  }
0x1f: {  	s9 =	smul.u32 $0xF7A, s1;
	s8 =	simm.s32 @!p0 $0x1BF5;
	p2 =	por !p2, p0  }
0x20: {  	[sflag:s8] =	ssyncset.s32 @!p0 $0xFFFFF086;
	s6 =	sadd.s32 @!p0 s3, s7;
	s7 =	simm.s32 @!p0 $0x108  }
0x21: {  	s3 =	sadd.s32 s3, s9;
	s6 =	sadd.s32 @!p0 $0x88, s6;
	s7 =	simm.s32 @p2 $0x1082  }
0x22: {  	[simem:s7], [sflag:s8] =	dma.local @!p0 [hbm:s6], $0xF7A  }
0x23: {  	s9 =	sor.u32 $0xD0000000, s2;
	s6 =	simm.s32 $0x108;
	_ =	swait.ge @!p0 [sflag:s8], $0x0  }
0x24: {  	s3 =	sadd.s32 $0x88, s3;
	s6 =	simm.s32 @!p1 $0x1082;
	[sflag:s4] =	ssyncset.s32 $0xFFFFF086  }
0x25: {  	[simem:s6], [sflag:s4] =	dma.local [hbm:s3], $0xF7A  }
0x26: {  	[smem:$0x3F99] =	sst s1;
	(tag) =	ssettag s2;
	_ =	strace s9  }
0x27: {  	s1 =	sld [smem:$0x3FA9]  }
0x28: {  	s2 =	sld [smem:$0x3FAA]  }
0x29: {  	s4 =	sld [smem:$0x3FAC]  }
0x2a: {  	p0 =	seq.s32 s5, $0x0;
	s5 =	sld [smem:$0x3FAD]  }
0x2b: {  	s6 =	sld [smem:$0x3FAE]  }
0x2c: {  	s7 =	sld [smem:$0x3FAF]  }
0x2d: {  	s3 =	simm.s32 $0x108;
	s8 =	sld [smem:$0x3FB0]  }
0x2e: {  	s3 =	simm.s32 @!p0 $0x1082;
	s9 =	sld [smem:$0x3FB1]  }
0x2f: {  	lr =	sadd.s32 s0, s3;
	s0 =	sld [smem:$0x3FA8]  }
0x30: {  	s3 =	sld [smem:$0x3FAB]  }
0x31: {  	[smem:$0x3FB4] =	sst s10  }
0x32: {  	s10 =	sld [smem:$0x3FB2];
	_ =	sdelay $0x3  }
0x33: {  	p0 =	seq.s32 s10, $0x1;
	s10 =	sld [smem:$0x3FB4];
	_ =	sdelay $0x3  }
0x34: {  	[smem:$0x3FB4] =	sst s10  }
0x35: {  	s10 =	sld [smem:$0x3FB3];
	_ =	sdelay $0x3  }
0x36: {  	p1 =	seq.s32 s10, $0x1;
	s10 =	sld [smem:$0x3FB4];
	_ =	sdelay $0x3  }
0x37: {  	[smem:$0x3FB4] =	sst s10  }
0x38: {  	s10 =	sld [smem:$0x3FB5]  }
0x39: {  	_ = 	snop;
	(pc) =	sbr.ind lr, $3  }
0x3a: {  	_ = 	snop  }
0x3b: {  	_ = 	snop  }
0x3c: {  	p2 =	seq.s32 s10, $0x1;
	s10 =	sld [smem:$0x3FB4]  }
0x3d: {  	_ =	shalt  }
0x3e: {  	_ =	shalt  }
0x3f: {  	_ =	shalt  }
0x40: {  	_ =	shalt  }
0x41: {  	_ =	shalt  }
0x42: {  	_ =	shalt  }
0x43: {  	_ =	shalt  }
0x44: {  	_ =	shalt  }
0x45: {  	_ =	shalt  }
0x46: {  	_ =	shalt  }
0x47: {  	_ =	shalt  }
0x48: {  	_ =	shalt  }
0x49: {  	_ =	shalt  }
0x4a: {  	_ =	shalt  }
0x4b: {  	_ =	shalt  }
0x4c: {  	_ =	shalt  }
0x4d: {  	_ =	shalt  }
0x4e: {  	_ =	shalt  }
0x4f: {  	_ =	shalt  }
0x50: {  	_ =	shalt  }
0x51: {  	_ =	shalt  }
0x52: {  	_ =	shalt  }
0x53: {  	_ =	shalt  }
0x54: {  	_ =	shalt  }
0x55: {  	_ =	shalt  }
0x56: {  	_ =	shalt  }
0x57: {  	_ =	shalt  }
0x58: {  	_ =	shalt  }
0x59: {  	_ =	shalt  }
0x5a: {  	_ =	shalt  }
0x5b: {  	_ =	shalt  }
0x5c: {  	_ =	shalt  }
0x5d: {  	_ =	shalt  }
0x5e: {  	_ =	shalt  }
0x5f: {  	_ =	shalt  }
0x60: {  	_ =	shalt  }
0x61: {  	_ =	shalt  }
0x62: {  	_ =	shalt  }
0x63: {  	_ =	shalt  }
0x64: {  	_ =	shalt  }
0x65: {  	_ =	shalt  }
0x66: {  	_ =	shalt  }
0x67: {  	_ =	shalt  }
0x68: {  	_ =	shalt  }
0x69: {  	_ =	shalt  }
0x6a: {  	_ =	shalt  }
0x6b: {  	_ =	shalt  }
0x6c: {  	_ =	shalt  }
0x6d: {  	_ =	shalt  }
0x6e: {  	_ =	shalt  }
0x6f: {  	_ =	shalt  }
0x70: {  	_ =	shalt  }
0x71: {  	_ =	shalt  }
0x72: {  	_ =	shalt  }
0x73: {  	_ =	shalt  }
0x74: {  	_ =	shalt  }
0x75: {  	_ =	shalt  }
0x76: {  	_ =	shalt  }
0x77: {  	_ =	shalt  }
0x78: {  	_ =	shalt  }
0x79: {  	_ =	shalt  }
0x7a: {  	_ =	shalt  }
0x7b: {  	_ =	shalt  }
0x7c: {  	_ =	shalt  }
0x7d: {  	_ =	shalt  }
0x7e: {  	_ =	shalt  }
0x7f: {  	_ =	shalt  }
0x80: {  	_ =	shalt  }
0x81: {  	_ =	shalt  }
0x82: {  	_ =	shalt  }
0x83: {  	_ =	shalt  }
0x84: {  	_ =	shalt  }
0x85: {  	_ =	shalt  }
0x86: {  	_ =	shalt  }
0x87: {  	_ =	shalt  }
.Lfunc_end0:
.L_simem_size_0:
called_computation.1_lowered:
.L_overlay_start_0:
0x88: {  	s2 =	sld [smem:$0x3FD9]  }
0x89: {  	s3 =	sld [smem:$0x3FFE];
	_ =	sdelay $0x1  }
0x8a: {  	s1 =	srdreg.scid  }
0x8b: {  	s0 =	sand.u32 $0x1, s1  }
0x8c: {  	s17 =	sshll.u32 s0, $0xA;
	s2 =	sadd.s32 s3, s2  }
0x8d: {  	s2 =	sadd.s32 s2, s17  }
0x8e: {  	[smem:$0x3FC0] =	sst s2  }
0x8f: {  	_ = 	snop  }
0x90: {  	s2 =	sld [smem:$0x3FC2];
	(tm) =	ssettm $0x1  }
0x91: {  	s18 =	sld [smem:$0x3FFB];
	_ =	sdelay $0x3  }
0x92: {  	_ =	strace s18  }
0x93: {  	s3 =	sld [smem:$0x3FFC];
	_ =	sdelay $0x3  }
0x94: {  	_ =	strace s3  }
0x95: {  	s3 =	sld [smem:$0x3FFD];
	_ =	sdelay $0x3  }
0x96: {  	_ =	strace s3  }
0x97: {  	_ =	strace $0x8FFFFFFF  }
0x98: {  	s19 =	sld [smem:$0x3FDB];
	_ =	sdelay $0x1  }
0x99: {  	s4 =	simm.s32 $_scs_section_size  }
0x9a: {  	s5 =	simm.s32 $_size__tile_overlayer_lowered;
	s6 =	simm.s32 $_tile_overlayer_lowered  }
0x9b: {  	s22 =	simm.s32 $0x1BFF;
	s21 =	sshll.u32 s6, $0x1;
	s3 =	sadd.s32 s4, s19  }
0x9c: {  	s7 =	simm.s32 $0x0;
	s20 =	sshll.u32 s5, $0x1;
	s5 =	sadd.s32 s21, s3  }
0x9d: {  	[timem:s7], [sflag:s22] =	dma.local [hbm:s5], s20  }
0x9e: {  	_ =	swait.ge [sflag:s22], s20  }
0x9f: {  	s4 =	ssub.s32 $0x0, s20;
	[sflag:s22] =	ssyncset.done $0x0  }
0xa0: {  	[sflag:s22] =	ssyncadd.s32 s4;
	_ =	sdelay $0x1  }
0xa1: {  	s23 =	simm.s32 $0x1B8B  }
0xa2: {  	_ =	swait.ge [sflag:s23], $0x1  }
0xa3: {  	[sflag:s23] =	ssyncset.done $0x0  }
0xa4: {  	s25 =	simm.s32 $0x1B8E;
	s24 =	sld [smem:$0x3FFE];
	[sflag:s23] =	ssyncadd.s32 $0xFFFFFFFF  }
0xa5: {  	s26 =	simm.s32 $execute0_lowered;
	[smem:$0x3FD2] =	sst s25  }
0xa6: {  	s5 =	sshll.u32 s26, $0x1;
	_ =	strace $0x80000046;
	[dreg:$0x1] =	wrdreg $0xFFFFFFFF  }
0xa7: {  	s28 =	simm.s32 $_size_execute0_lowered;
	s3 =	sadd.s32 s3, s5;
	[dreg:$0x0] =	wrdreg $0x0  }
0xa8: {  	s5 =	sshll.u32 s28, $0x1;
	[dreg:$0x2] =	wrdreg s3  }
0xa9: {  	[dreg:$0x3] =	wrdreg s5  }
0xaa: {  	[dreg:$0x4] =	wrdreg $0xC0  }
0xab: {  	_ =	task [dreg:s7], $0x5FFFF  }
0xac: {  	[dreg:$0x1] =	wrdreg $0xFFFFFFFF  }
0xad: {  	[dreg:$0x0] =	wrdreg $0x60  }
0xae: {  	[dreg:$0x2] =	wrdreg s24  }
0xaf: {  	[dreg:$0x3] =	wrdreg s2  }
0xb0: {  	[dreg:$0x4] =	wrdreg $0xB5000  }
0xb1: {  	[dreg:$0x5] =	wrdreg $0xA  }
0xb2: {  	_ =	task.clear_ibuf [dreg:s7], $0x6FFFF;
	_ =	strace $0x90000046  }
0xb3: {  	s29 =	simm.s32 $0xA;
	_ =	strace $0x80000048  }
0xb4: {  	_ =	swait.ge [sflag:s29], $0x1  }
0xb5: {  	[sflag:s29] =	ssyncadd.s32 $0xFFFFFFFF  }
0xb6: {  	_ =	strace $0x90000048  }
0xb7: {  	_ =	sfence  }
0xb8: {  	s30 =	sld [smem:$0x0];
	_ =	sdelay $0x2  }
0xb9: {  	s31 =	sshll.u32 s1, $0xD;
	s1 =	sshrl.u32 s1, $0x2  }
0xba: {  	s3 =	sand.u32 $0x4000, s31;
	s1 =	sadd.s32 s1, s30  }
0xbb: {  	s0 =	sor.u32 s3, s0;
	s1 =	sshll.u32 s1, $0x11  }
0xbc: {  	s0 =	sor.u32 s1, s0  }
0xbd: {  	s0 =	sadd.s32 $0x8F2B, s0  }
0xbe: {  	[sflag:s0] =	ssyncadd.remote.s32 $0x1  }
0xbf: {  	_ =	sfence.sel $0xFFFF  }
0xc0: {  	[dreg:$0x0] =	wrdreg $0xFFFFFFFF;
	(pc) =	sbr.abs _section_cstart, $3  }
0xc1: {  	[dreg:$0x1] =	wrdreg $0xFFFFFFFF  }
0xc2: {  	_ =	task.clear_ibuf [dreg:s7], $0x2FFFF;
	_ =	strace $0x9FFFFFFF  }
0xc3: {  	(tm) =	ssettm $0x7FFFFFFF  }
tec
execute0_lowered:
.L_overlay_start_1:
0x0: {  	(tag) =	ssettag $0x1  }
0x1: {  	s0 =	rddreg [dreg:$0x0]  }
0x2: {  	s1 =	rddreg [dreg:$0x1]  }
0x3: {  	s2 =	rddreg [dreg:$0x2];
	s4 =	srdreg.scid  }
0x4: {  	s3 =	simm.s32 $0x0;
	s21 =	stileid.u32;
	s28 =	simm.s32 $0x3  }
0x5: {  	s29 =	simm.s32 $0x4;
	s20 =	smul.u32 $0x19000, s21;
	s11 =	sor.u32 $0x10, s21  }
0x6: {  	s30 =	simm.s32 $0x1;
	s13 =	sor.u32 $0x20, s21;
	s7 =	smul.u32 $0x19000, s11  }
0x7: {  	s31 =	simm.s32 $0x2;
	s14 =	sor.u32 $0x30, s21;
	s12 =	smul.u32 $0x19000, s13  }
0x8: {  	s4 =	sand.u32 $0x1, s4;
	[smem:$0x7FF] =	sst s3;
	s15 =	smul.u32 $0x19000, s14  }
0x9: {  	s9 =	sadd.s32 $0x4E3200, s0;
	s19 =	sshll.u32 s21, $0x1;
	s17 =	smul.u32 $0x138800, s4  }
0xa: {  	s0 =	sadd.s32 $0x1000, s0;
	s8 =	sor.u32 s4, s19;
	s19 =	smul.u32 $0x6400, s21  }
0xb: {  	p0 =	sgt.u32 s21, $0x1;
	s5 =	ssub.s32 $0x2, s4;
	s11 =	smul.u32 $0x6400, s11  }
0xc: {  	_ =	strace $0x80000047;
	s6 =	sshrl.u32 s5, $0x1;
	s25 =	smul.u32 $0x2710, s8  }
0xd: {  	s22 =	sshrl.u32 s20, $0x2;
	s16 =	smul.u32 $0x27100, s8;
	s10 =	ssub.s32 s5, s6  }
0xe: {  	s5 =	sadd.s32 s22, s2;
	s23 =	sshrl.u32 s7, $0x2;
	s24 =	sshrl.u32 s12, $0x2  }
0xf: {  	s15 =	sshrl.u32 s15, $0x2;
	s11 =	sadd.s32 s17, s11;
	s6 =	sadd.s32 s23, s2  }
0x10: {  	s7 =	sadd.s32 s24, s2;
	s8 =	sadd.s32 s15, s2;
	s26 =	sadd.s32 $0x26C0, s25  }
0x11: {  	s12 =	sshrl.u32 s25, $0x3;
	s16 =	sadd.s32 s9, s16;
	s24 =	smul.u32 $0x6400, s13  }
0x12: {  	s23 =	sadd.s32 s19, s17;
	s11 =	sshrl.u32 s11, $0x3;
	s13 =	smul.u32 $0x4E20, s21  }
0x13: {  	s18 =	sshrl.u32 s26, $0x3;
	s12 =	sadd.s32 s1, s12;
	[dreg:$0x5] =	wrdreg s16  }
0x14: {  	s22 =	sshll.u32 s26, $0x4;
	s15 =	sshrl.u32 s23, $0x3;
	s26 =	smul.u32 $0x6400, s14  }
0x15: {  	s14 =	sadd.s32 s0, s11;
	[dreg:$0x4] =	wrdreg s12;
	s20 =	sadd.s32 s1, s18  }
0x16: {  	s23 =	smul.u32 $0x4E200, s21;
	s12 =	sadd.s32 s9, s22;
	[dreg:$0x6] =	wrdreg s20  }
0x17: {  	s21 =	simm.s32 $0x5100;
	s25 =	sadd.s32 s0, s15;
	[dreg:$0x7] =	wrdreg s12  }
0x18: {  	[dreg:$0x8] =	wrdreg s25;
	s12 =	sadd.s32 s17, s24;
	s20 =	smul.u32 $0x2710, s4  }
0x19: {  	s22 =	sadd.s32 s17, s26;
	s4 =	smul.u32 $0x27100, s4;
	s24 =	sadd.s32 s23, s9  }
0x1a: {  	s17 =	smax.u32 s10, $0x1;
	s23 =	simm.s32 $0x100;
	s19 =	sshrl.u32 s12, $0x3  }
0x1b: {  	s11 =	sshrl.u32 s22, $0x3;
	s22 =	simm.s32 $0x5;
	s15 =	sadd.s32 s0, s19  }
0x1c: {  	s19 =	sadd.s32 s20, s13;
	s16 =	sadd.s32 s0, s11;
	s0 =	sadd.s32 s4, s24  }
0x1d: {  	s24 =	simm.s32 $0x80;
	s25 =	sadd.s32 $0x50, s19;
	s18 =	sadd.s32 $0xA00, s0  }
0x1e: {  	s19 =	sadd.s32 $0xA0, s19;
	s0 =	simm.s32 $0x0;
	s26 =	sshrl.u32 s25, $0x3  }
0x1f: {  	v0 =	vimm.f32 $0.0e+00;
	s25 =	simm.s32 $0x2900;
	s20 =	sadd.s32 s26, s1;
	s26 =	simm.s32 $0x50  }
.LBB2_1:
0x20: {  	s4 =	simm.s32 $0x200;
	s9 =	simm.s32 $0x0  }
.LBB2_2:
0x21: {  	p1 =	sne.s32 s4, $0x18E00;
	[tilespmem:s9+$0x5100] =	vst v0;
	s9 =	smov.u32 s4;
	s4 =	sadd.s32 $0x200, s4  }
.Ltmp0:
0x22: {  	(pc) =	sbr.rel @p1 .LBB2_2-.Ltmp0, $2  }
0x23: {  	_ =	sdelay $0x2  }
0x24: {  	s9 =	sshra.s32 s9, $0x2  }
0x25: {  	[tilespmem:s9+$0x5100] =	vst v0  }
0x26: {  	[spmem:s5] =	stream.linear.scatter [tilespmem:s21], [sflag:$0x5], $0x6400, $0x38;
	[tilespmem:$0xDC10] =	vst v63  }
0x27: {  	_ =	swait.ge [sflag:s22], $0x6400  }
0x28: {  	[sflag:s22] =	ssyncset.done $0x0  }
0x29: {  	[sflag:s22] =	ssyncadd.s32 $0xFFFF9C00  }
0x2a: {  	[spmem:s6] =	stream.linear.scatter [tilespmem:s21], [sflag:$0x5], $0x6400, $0x38;
	[tilespmem:$0xDC10] =	vst v63  }
0x2b: {  	_ =	swait.ge [sflag:s22], $0x6400  }
0x2c: {  	[sflag:s22] =	ssyncset.done $0x0  }
0x2d: {  	[sflag:s22] =	ssyncadd.s32 $0xFFFF9C00  }
0x2e: {  	[spmem:s7] =	stream.linear.scatter [tilespmem:s21], [sflag:$0x5], $0x6400, $0x38;
	[tilespmem:$0xDC10] =	vst v63  }
0x2f: {  	_ =	swait.ge [sflag:s22], $0x6400  }
0x30: {  	[sflag:s22] =	ssyncset.done $0x0  }
0x31: {  	s4 =	simm.s32 @!p0 $0x5100;
	[sflag:s22] =	ssyncadd.s32 $0xFFFF9C00  }
0x32: {  	[spmem:s8] =	stream.linear.scatter @!p0 [tilespmem:s4], [sflag:$0x5], $0x6400, $0x38;
	[tilespmem:$0xDC10] =	vst v63  }
0x33: {  	s4 =	simm.s32 @!p0 $0x5  }
0x34: {  	_ =	swait.ge @!p0 [sflag:s4], $0x6400  }
0x35: {  	[sflag:s4] =	ssyncset.done @!p0 $0x0  }
0x36: {  	[sflag:s4] =	ssyncadd.s32 @!p0 $0xFFFF9C00  }
0x37: {  	[bflag:$0x0] =	sbarrier.arrive $0xFFFF  }
0x38: {  	s12 =	simm.s32 $0x0;
	s13 =	rddreg [dreg:$0x4]  }
0x39: {  	[tilespmem:s12], [sflag:$0x5] =	stream.linear.gather [hbm4b:s13+s12], $0x50, $0x38;
	[tilespmem:$0xDC10] =	vst v63  }
0x3a: {  	_ =	swait.ge [sflag:s22], $0x50  }
0x3b: {  	[sflag:s22] =	ssyncset.done $0x0  }
0x3c: {  	s10 =	rddreg [dreg:$0x5];
	[sflag:s22] =	ssyncadd.s32 $0xFFFFFFB0  }
0x3d: {  	[tilespmem:s23], [sflag:$0x5] =	stream.linear.gather [hbm4b:s10+s12], $0x2800, $0x38;
	[tilespmem:$0xDC10] =	vst v63  }
0x3e: {  	_ =	swait.ge [sflag:s22], $0x2800  }
0x3f: {  	[sflag:s22] =	ssyncset.done $0x0  }
0x40: {  	s11 =	sadd.s32 $0x0, s20;
	[sflag:s22] =	ssyncadd.s32 $0xFFFFD800  }
0x41: {  	[tilespmem:s24], [sflag:$0x3] =	stream.linear.gather [hbm4b:s11+s3], $0x50, $0x38;
	[tilespmem:$0xDC10] =	vst v63  }
0x42: {  	s12 =	sadd.s32 $0xFFFFFB00, s18  }
0x43: {  	[tilespmem:s25], [sflag:$0x4] =	stream.linear.gather [hbm4b:s12+s3], $0x2800, $0x38;
	[tilespmem:$0xDC10] =	vst v63  }
0x44: {  	_ = 	snop  }
0x45: {  	[spmem:s2] =	stream.indirect.scatter.add.f32 [tilespmem:s23], [sflag:$0x5], $0x10, s3, s26, $0xb8;
	[tilespmem:$0xDC10] =	vst v63  }
0x46: {  	_ =	swait.ge [sflag:s22], $0x500  }
0x47: {  	[sflag:s22] =	ssyncset.done $0x0  }
0x48: {  	[sflag:s22] =	ssyncadd.s32 $0xFFFFFB00  }
0x49: {  	_ =	swait.ge [sflag:s28], $0x50  }
0x4a: {  	[sflag:s28] =	ssyncset.done $0x0  }
0x4b: {  	[sflag:s28] =	ssyncadd.s32 $0xFFFFFFB0  }
0x4c: {  	_ =	swait.ge [sflag:s29], $0x2800  }
0x4d: {  	s13 =	sshrl.u32 s19, $0x3;
	[sflag:s29] =	ssyncset.done $0x0  }
0x4e: {  	s4 =	sadd.s32 s1, s13;
	[sflag:s29] =	ssyncadd.s32 $0xFFFFD800  }
0x4f: {  	[tilespmem:s3], [sflag:$0x1] =	stream.linear.gather [hbm4b:s4+s3], $0x50, $0x38;
	[tilespmem:$0xDC10] =	vst v63  }
0x50: {  	_ = 	snop  }
0x51: {  	[tilespmem:s23], [sflag:$0x2] =	stream.linear.gather [hbm4b:s18+s3], $0x2800, $0x38;
	[tilespmem:$0xDC10] =	vst v63  }
0x52: {  	_ = 	snop  }
0x53: {  	[spmem:s2] =	stream.indirect.scatter.add.f32 [tilespmem:s25], [sflag:$0x5], $0x10, s24, s26, $0xb8;
	[tilespmem:$0xDC10] =	vst v63  }
0x54: {  	_ =	swait.ge [sflag:s22], $0x500  }
0x55: {  	[sflag:s22] =	ssyncset.done $0x0  }
0x56: {  	[sflag:s22] =	ssyncadd.s32 $0xFFFFFB00  }
0x57: {  	_ =	swait.ge [sflag:s30], $0x50  }
0x58: {  	[sflag:s30] =	ssyncset.done $0x0  }
0x59: {  	[sflag:s30] =	ssyncadd.s32 $0xFFFFFFB0  }
0x5a: {  	s9 =	sadd.s32 $0xA0, s19;
	s10 =	simm.s32 $0x14;
	_ =	swait.ge [sflag:s31], $0x2800  }
0x5b: {  	s11 =	simm.s32 $0x28;
	s4 =	sadd.s32 $0xA00, s18;
	[sflag:s31] =	ssyncset.done $0x0  }
.LBB2_4:
0x5c: {  	s12 =	sadd.s32 s10, s20  }
0x5d: {  	[sflag:s31] =	ssyncadd.s32 $0xFFFFD800;
	s10 =	smov.u32 s11;
	s13 =	sadd.s32 $0x14, s11  }
0x5e: {  	[tilespmem:s24], [sflag:$0x3] =	stream.linear.gather [hbm4b:s12+s3], $0x50, $0x38;
	[tilespmem:$0xDC10] =	vst v63  }
0x5f: {  	p1 =	sne.s32 s11, $0x4C4;
	s11 =	sadd.s32 $0xFFFFFB00, s4  }
0x60: {  	[tilespmem:s25], [sflag:$0x4] =	stream.linear.gather [hbm4b:s11+s3], $0x2800, $0x38;
	[tilespmem:$0xDC10] =	vst v63  }
0x61: {  	_ = 	snop  }
0x62: {  	[spmem:s2] =	stream.indirect.scatter.add.f32 [tilespmem:s23], [sflag:$0x5], $0x10, s3, s26, $0xb8;
	[tilespmem:$0xDC10] =	vst v63  }
0x63: {  	_ =	swait.ge [sflag:s22], $0x500  }
0x64: {  	[sflag:s22] =	ssyncset.done $0x0  }
0x65: {  	[sflag:s22] =	ssyncadd.s32 $0xFFFFFB00  }
0x66: {  	_ =	swait.ge [sflag:s28], $0x50  }
0x67: {  	[sflag:s28] =	ssyncset.done $0x0  }
0x68: {  	[sflag:s28] =	ssyncadd.s32 $0xFFFFFFB0  }
0x69: {  	_ =	swait.ge [sflag:s29], $0x2800  }
0x6a: {  	s11 =	sshrl.u32 s9, $0x3;
	[sflag:s29] =	ssyncset.done $0x0  }
0x6b: {  	s11 =	sadd.s32 s1, s11;
	[sflag:s29] =	ssyncadd.s32 $0xFFFFD800  }
0x6c: {  	[tilespmem:s3], [sflag:$0x1] =	stream.linear.gather [hbm4b:s11+s3], $0x50, $0x38;
	[tilespmem:$0xDC10] =	vst v63  }
0x6d: {  	_ = 	snop  }
0x6e: {  	[tilespmem:s23], [sflag:$0x2] =	stream.linear.gather [hbm4b:s4+s3], $0x2800, $0x38;
	[tilespmem:$0xDC10] =	vst v63  }
0x6f: {  	_ = 	snop  }
0x70: {  	[spmem:s2] =	stream.indirect.scatter.add.f32 [tilespmem:s25], [sflag:$0x5], $0x10, s24, s26, $0xb8;
	[tilespmem:$0xDC10] =	vst v63  }
0x71: {  	_ =	swait.ge [sflag:s22], $0x500  }
0x72: {  	[sflag:s22] =	ssyncset.done $0x0  }
0x73: {  	[sflag:s22] =	ssyncadd.s32 $0xFFFFFB00  }
.Ltmp1:
0x74: {  	_ =	swait.ge [sflag:s30], $0x50;
	(pc) =	sbr.rel @p1 .LBB2_4-.Ltmp1, $4  }
0x75: {  	[sflag:s30] =	ssyncset.done $0x0  }
0x76: {  	[sflag:s30] =	ssyncadd.s32 $0xFFFFFFB0  }
0x77: {  	s9 =	sadd.s32 $0xA0, s9;
	_ =	swait.ge [sflag:s31], $0x2800  }
0x78: {  	s11 =	smov.u32 s13;
	s4 =	sadd.s32 $0xA00, s4;
	[sflag:s31] =	ssyncset.done $0x0  }
0x79: {  	s10 =	sadd.s32 s10, s20;
	[sflag:s31] =	ssyncadd.s32 $0xFFFFD800  }
0x7a: {  	[tilespmem:s24], [sflag:$0x3] =	stream.linear.gather [hbm4b:s10+s3], $0x50, $0x38;
	[tilespmem:$0xDC10] =	vst v63  }
0x7b: {  	s11 =	sadd.s32 $0xFFFFFB00, s4  }
0x7c: {  	[tilespmem:s25], [sflag:$0x4] =	stream.linear.gather [hbm4b:s11+s3], $0x2800, $0x38;
	[tilespmem:$0xDC10] =	vst v63  }
0x7d: {  	_ = 	snop  }
0x7e: {  	[spmem:s2] =	stream.indirect.scatter.add.f32 [tilespmem:s23], [sflag:$0x5], $0x10, s3, s26, $0xb8;
	[tilespmem:$0xDC10] =	vst v63  }
0x7f: {  	_ =	swait.ge [sflag:s22], $0x500  }
0x80: {  	[sflag:s22] =	ssyncset.done $0x0  }
0x81: {  	[sflag:s22] =	ssyncadd.s32 $0xFFFFFB00  }
0x82: {  	_ =	swait.ge [sflag:s28], $0x50  }
0x83: {  	[sflag:s28] =	ssyncset.done $0x0  }
0x84: {  	[sflag:s28] =	ssyncadd.s32 $0xFFFFFFB0  }
0x85: {  	_ =	swait.ge [sflag:s29], $0x2800  }
0x86: {  	s9 =	sshrl.u32 s9, $0x3;
	[sflag:s29] =	ssyncset.done $0x0  }
0x87: {  	s9 =	sadd.s32 s1, s9;
	[sflag:s29] =	ssyncadd.s32 $0xFFFFD800  }
0x88: {  	[tilespmem:s3], [sflag:$0x1] =	stream.linear.gather [hbm4b:s9+s3], $0x50, $0x38;
	[tilespmem:$0xDC10] =	vst v63  }
0x89: {  	_ = 	snop  }
0x8a: {  	[tilespmem:s23], [sflag:$0x2] =	stream.linear.gather [hbm4b:s4+s3], $0x2800, $0x38;
	[tilespmem:$0xDC10] =	vst v63  }
0x8b: {  	_ = 	snop  }
0x8c: {  	[spmem:s2] =	stream.indirect.scatter.add.f32 [tilespmem:s25], [sflag:$0x5], $0x10, s24, s26, $0xb8;
	[tilespmem:$0xDC10] =	vst v63  }
0x8d: {  	_ =	swait.ge [sflag:s22], $0x500  }
0x8e: {  	[sflag:s22] =	ssyncset.done $0x0  }
0x8f: {  	[sflag:s22] =	ssyncadd.s32 $0xFFFFFB00  }
0x90: {  	_ =	swait.ge [sflag:s30], $0x50  }
0x91: {  	[sflag:s30] =	ssyncset.done $0x0  }
0x92: {  	[sflag:s30] =	ssyncadd.s32 $0xFFFFFFB0  }
0x93: {  	_ =	swait.ge [sflag:s31], $0x2800  }
0x94: {  	[sflag:s31] =	ssyncset.done $0x0  }
0x95: {  	s12 =	rddreg [dreg:$0x6];
	[sflag:s31] =	ssyncadd.s32 $0xFFFFD800  }
0x96: {  	[tilespmem:s3], [sflag:$0x5] =	stream.linear.gather [hbm4b:s12+s3], $0x50, $0x38;
	[tilespmem:$0xDC10] =	vst v63  }
0x97: {  	_ =	swait.ge [sflag:s22], $0x50  }
0x98: {  	[sflag:s22] =	ssyncset.done $0x0  }
0x99: {  	s13 =	rddreg [dreg:$0x7];
	[sflag:s22] =	ssyncadd.s32 $0xFFFFFFB0  }
0x9a: {  	[tilespmem:s23], [sflag:$0x5] =	stream.linear.gather [hbm4b:s13+s3], $0x2800, $0x38;
	[tilespmem:$0xDC10] =	vst v63  }
0x9b: {  	_ =	swait.ge [sflag:s22], $0x2800  }
0x9c: {  	[sflag:s22] =	ssyncset.done $0x0  }
0x9d: {  	[sflag:s22] =	ssyncadd.s32 $0xFFFFD800  }
0x9e: {  	[spmem:s2] =	stream.indirect.scatter.add.f32 [tilespmem:s23], [sflag:$0x5], $0x10, s3, s26, $0xb8;
	[tilespmem:$0xDC10] =	vst v63  }
0x9f: {  	_ =	swait.ge [sflag:s22], $0x500  }
0xa0: {  	[sflag:s22] =	ssyncset.done $0x0  }
0xa1: {  	s9 =	stileid.u32;
	[sflag:s22] =	ssyncadd.s32 $0xFFFFFB00  }
0xa2: {  	s4 =	sshll.u32 s9, $0x6;
	[bflag:$0x0] =	sbarrier.arrive $0xFFFF  }
0xa3: {  	s10 =	sshrl.u32 s5, $0x3;
	s4 =	sor.u32 $0x1C05, s4;
	s11 =	rddreg [dreg:$0x8]  }
0xa4: {  	[hbm:s11], [sflag:s4] =	dma.local [spmem:s10], $0xC80  }
0xa5: {  	_ =	swait.ge [sflag:s22], $0xC80  }
0xa6: {  	[sflag:s22] =	ssyncset.done $0x0  }
0xa7: {  	s12 =	sshrl.u32 s6, $0x3;
	[sflag:s22] =	ssyncadd.s32 $0xFFFFF380  }
0xa8: {  	[hbm:s14], [sflag:s4] =	dma.local [spmem:s12], $0xC80  }
0xa9: {  	_ =	swait.ge [sflag:s22], $0xC80  }
0xaa: {  	[sflag:s22] =	ssyncset.done $0x0  }
0xab: {  	s13 =	sshrl.u32 s7, $0x3;
	[sflag:s22] =	ssyncadd.s32 $0xFFFFF380  }
0xac: {  	[hbm:s15], [sflag:s4] =	dma.local [spmem:s13], $0xC80  }
0xad: {  	_ =	swait.ge [sflag:s22], $0xC80  }
0xae: {  	s0 =	sadd.s32 $0x1, s0;
	[sflag:s22] =	ssyncset.done $0x0  }
0xaf: {  	p1 =	sne.s32 s0, s17;
	s9 =	sshrl.u32 @!p0 s8, $0x3;
	[sflag:s22] =	ssyncadd.s32 $0xFFFFF380  }
0xb0: {  	[hbm:s16], [sflag:s4] =	dma.local @!p0 [spmem:s9], $0xC80  }
.Ltmp2:
0xb1: {  	_ = 	snop;
	(pc) =	sbr.rel @p1 .LBB2_1-.Ltmp2, $4  }
0xb2: {  	s4 =	simm.s32 @!p0 $0x5  }
0xb3: {  	_ =	swait.ge @!p0 [sflag:s4], $0xC80  }
0xb4: {  	[sflag:s4] =	ssyncset.done @!p0 $0x0  }
0xb5: {  	[sflag:s4] =	ssyncadd.s32 @!p0 $0xFFFFF380  }
0xb6: {  	_ =	sfence.sel $0x180000  }
0xb7: {  	[bflag:$0x0] =	sbarrier.arrive $0xFFFF  }
0xb8: {  	_ =	strace $0x90000047  }
0xb9: {  	s0 =	stileid.u32;
	[bflag:$0x2] =	sbarrier.arrive $0xFFFF  }
0xba: {  	p0 =	sne.s32 s0, $0x0;
	s0 =	rddreg [dreg:$0x3]  }
0xbb: {  	s0 =	sadd.s32 @!p0 $0x100000, s0  }
0xbc: {  	[sflag:s0] =	ssyncadd.tile.s32 @!p0 $0x1;
	_ =	shalt  }
.Lfunc_end2:
_tile_overlayer_lowered:
.L_overlay_start_2:
0xbd: {  	(tag) =	ssettag $0x2  }
0xbe: {  	s0 =	rddreg [dreg:$0x0];
	s2 =	stileid.u32  }
0xbf: {  	s1 =	rddreg [dreg:$0x1];
	p0 =	sne.s32 s2, $0x0  }
0xc0: {  	s3 =	rddreg [dreg:$0x2];
	[bflag:$0x3] =	sbarrier.arrive $0xFFFF;
	s2 =	simm.s32 @!p0 $0x1C05  }
0xc1: {  	[timem:s3], [sflag:s2] =	dma.local @!p0 [hbm:s0], s1  }
0xc2: {  	s0 =	simm.s32 @!p0 $0x5  }
0xc3: {  	_ =	swait.ge @!p0 [sflag:s0], s1  }
0xc4: {  	s1 =	ssub.s32 @!p0 $0x0, s1;
	[sflag:s0] =	ssyncset.done @!p0 $0x0  }
0xc5: {  	[sflag:s0] =	ssyncadd.s32 @!p0 s1  }
0xc6: {  	[bflag:$0x3] =	sbarrier.arrive $0xFFFF  }
0xc7: {  	_ =	shalt  }

</sc_bundles>
